<compile_context>
chip_gen: v7x
topology: tpu7x:2x2x1
jax: 0.10.2.dev20260603
libtpu: 0.0.44.dev20260713+nightly
codegen_flags: <defaults>
</compile_context>

<pallas_src>
import jax
import jax.numpy as jnp
from jax import lax
from jax.experimental import pallas as pl
from jax.experimental.pallas import tpu as pltpu
from jax.experimental.pallas import tpu_sc as plsc

NUM_BINS = 65536
N = 8388608

NC = 2
NS = 16
NW = NC * NS
L = 16

PER_W = N // NW
CHUNK = 16384
NCH = PER_W // CHUNK
ROWS = CHUNK // 128


def _hist_body(inds_hbm, parts_hbm, stage, hist, sem0, sem1):
    c = lax.axis_index("c")
    s = lax.axis_index("s")
    wid = s * NC + c
    rbase = wid * (PER_W // 128)

    sems = (sem0, sem1)

    def start(ch, buf):
        return pltpu.async_copy(
            inds_hbm.at[pl.ds(rbase + ch * ROWS, ROWS)],
            stage.at[buf],
            sems[buf],
        )

    def process(buf):
        @plsc.parallel_loop(0, ROWS, step=1, unroll=1)
        def _(r):
            for k in range(128 // L):
                idx = stage[buf, r, pl.ds(k * L, L)]
                cnt, last = plsc.scan_count(idx)
                plsc.addupdate_scatter(hist, [idx], cnt, mask=last)

    start(0, 0)
    start(1, 1)

    @plsc.parallel_loop(0, NUM_BINS, step=L, unroll=16)
    def _(i):
        hist[pl.ds(i, L)] = jnp.zeros((L,), jnp.int32)

    def wait(buf):
        pltpu.make_async_copy(
            inds_hbm.at[pl.ds(0, ROWS)], stage.at[buf], sems[buf]
        ).wait()

    def pair_body(p, carry):
        wait(0)
        process(0)
        start(2 * p + 2, 0)
        wait(1)
        process(1)
        start(2 * p + 3, 1)
        return carry

    lax.fori_loop(0, NCH // 2 - 1, pair_body, 0)
    wait(0)
    process(0)
    wait(1)
    process(1)

    pltpu.sync_copy(hist, parts_hbm.at[wid])


_hist_kernel = pl.kernel(
    _hist_body,
    out_type=jax.ShapeDtypeStruct((NW, NUM_BINS), jnp.int32),
    mesh=plsc.VectorSubcoreMesh(
        core_axis_name="c", subcore_axis_name="s", num_cores=NC,
        num_subcores=NS,
    ),
    scratch_types=[
        pltpu.VMEM((2, ROWS, 128), jnp.int32),
        pltpu.VMEM((NUM_BINS,), jnp.int32),
        pltpu.SemaphoreType.DMA,
        pltpu.SemaphoreType.DMA,
    ],
    compiler_params=pltpu.CompilerParams(needs_layout_passes=False),
)


def _combine_body(parts_ref, counts_ref, s_ref, ss_ref):
    x = parts_ref[...]
    counts = jnp.sum(x, axis=0, keepdims=True)
    counts_ref[...] = counts
    b = lax.broadcasted_iota(jnp.int32, (1, NUM_BINS), 1)
    s_ref[...] = jnp.sum(counts * b).reshape(1, 1)
    ss_ref[...] = jnp.sum(counts * (b * b)).reshape(1, 1)


_combine_kernel = pl.pallas_call(
    _combine_body,
    out_shape=(
        jax.ShapeDtypeStruct((1, NUM_BINS), jnp.int32),
        jax.ShapeDtypeStruct((1, 1), jnp.int32),
        jax.ShapeDtypeStruct((1, 1), jnp.int32),
    ),
)


@jax.jit
def kernel(inds):
    parts = _hist_kernel(inds.reshape(N // 128, 128))
    counts2d, s2d, ss2d = _combine_kernel(parts)
    counts = counts2d.reshape(NUM_BINS)
    s = s2d[0, 0]
    ss = ss2d[0, 0]
    h_min = jnp.float32(0.0)
    h_max = jnp.float32(NUM_BINS - 1)
    num = jnp.int32(N)
    limits = jnp.arange(NUM_BINS + 1, dtype=jnp.int32)
    return (h_min, h_max, num, s, ss, limits, counts)

# --- scband reference (transcript-rebuilt; emitter-appended) ---
"""Pipeline reference for scband-index-count-histogram-46119358824679 (READ-ONLY COPY).

The authoritative reference and input builder live on the scoring server;
editing this copy changes nothing except your own understanding.
"""

import jax, jax.numpy as jnp
import numpy as np

NUM_BINS = 65536
N = 8388608


def setup_inputs(seed: int = 0) -> dict:
    key = jax.random.key(seed)
    inds = jax.random.randint(key, (N,), 0, NUM_BINS, dtype=jnp.int32)
    return {"inds": inds}


def reference(inds):
    # counts = hax.zeros(axis, int32).at[axis, inds].add(1)
    counts = jnp.zeros((NUM_BINS,), dtype=jnp.int32).at[inds].add(1)
    # Bin axis of size num_bins + 1; limits = arange(Bin)
    limits = jnp.arange(NUM_BINS + 1, dtype=jnp.int32)
    h_min = limits.min().astype(jnp.float32)
    h_max = (limits.max() - 1).astype(jnp.float32)
    num = jnp.array(inds.size, dtype=jnp.int32)
    s = inds.sum()
    ss = (inds ** 2).sum()
    # Histogram(min, max, num, sum, sum_squares, bucket_limits, bucket_counts)
    return (h_min, h_max, num, s, ss, limits, counts)

if __name__ == "__main__":
    import jax
    _d = setup_inputs()
    print(jax.jit(kernel)(*tuple(_d.values())))

</pallas_src>

<mosaic_0001>
#map = affine_map<(d0, d1) -> (0, 0)>
module attributes {stable_mosaic.version = 14 : i64} {
  func.func @_hist_body(%arg0: i32, %arg1: i32, %arg2: memref<65536x128xi32, #tpu.memory_space<hbm>>, %arg3: memref<32x65536xi32, #tpu.memory_space<hbm>>, %arg4: memref<2x128x128xi32, #tpu.memory_space<vmem>>, %arg5: memref<65536xi32, #tpu.memory_space<vmem>>, %arg6: memref<!tpu.dma_semaphore, #tpu.memory_space<semaphore_mem>>, %arg7: memref<!tpu.dma_semaphore, #tpu.memory_space<semaphore_mem>>) attributes {dimension_semantics = [#tpu.dimension_semantics<core_parallel>, #tpu.dimension_semantics<subcore_parallel>], iteration_bounds = array<i64: 2, 16>, scalar_prefetch = 0 : i64, scratch_operands = 4 : i64, tpu.core_type = #tpu.core_type<sc_vector_subcore>, window_params = [{transform_indices = #map}, {transform_indices = #map}]} {
    %mul3A = arith.constant 2 : i32
    %mul3A_0 = arith.muli %arg1, %mul3A : i32
    %add3A = arith.addi %mul3A_0, %arg0 : i32
    %mul3A_1 = arith.constant 2048 : i32
    %mul3A_2 = arith.muli %add3A, %mul3A_1 : i32
    %add3A_3 = arith.constant 0 : i32
    %add3A_4 = arith.addi %mul3A_2, %add3A_3 : i32
    %dma_start3A = arith.constant 0 : i32
    %dma_start3A_5 = arith.constant 0 : i32
    %dma_start3A_6 = arith.constant 0 : i32
    %dma_start3A_7 = tpu.memref_slice %arg4[%dma_start3A, %dma_start3A_5, %dma_start3A_6] : memref<2x128x128xi32, #tpu.memory_space<vmem>> -> memref<1x128x128xi32, #tpu.memory_space<vmem>>
    %dma_start3A_8 = tpu.memref_squeeze %dma_start3A_7 : memref<1x128x128xi32, #tpu.memory_space<vmem>> -> memref<128x128xi32, #tpu.memory_space<vmem>>
    %dma_start3A_9 = arith.constant 0 : i32
    %dma_start3A_10 = tpu.memref_slice %arg2[%add3A_4, %dma_start3A_9] : memref<65536x128xi32, #tpu.memory_space<hbm>> -> memref<128x128xi32, #tpu.memory_space<hbm>>
    %dma_start3A_11 = arith.constant 0 : i32
    %dma_start3A_12 = arith.constant 0 : i32
    %dma_start3A_13 = tpu.memref_slice %arg4[%dma_start3A, %dma_start3A_11, %dma_start3A_12] : memref<2x128x128xi32, #tpu.memory_space<vmem>> -> memref<1x128x128xi32, #tpu.memory_space<vmem>>
    %dma_start3A_14 = tpu.memref_squeeze %dma_start3A_13 : memref<1x128x128xi32, #tpu.memory_space<vmem>> -> memref<128x128xi32, #tpu.memory_space<vmem>>
    %dma_start3A_15 = arith.constant 0 : i32
    %dma_start3A_16 = tpu.memref_slice %arg2[%add3A_4, %dma_start3A_15] : memref<65536x128xi32, #tpu.memory_space<hbm>> -> memref<128x128xi32, #tpu.memory_space<hbm>>
    tpu.enqueue_dma source(%dma_start3A_16 : memref<128x128xi32, #tpu.memory_space<hbm>>) target(%dma_start3A_14 : memref<128x128xi32, #tpu.memory_space<vmem>>) target_semaphore(%arg6 : memref<!tpu.dma_semaphore, #tpu.memory_space<semaphore_mem>>)
    %add3A_17 = arith.constant 128 : i32
    %add3A_18 = arith.addi %mul3A_2, %add3A_17 : i32
    %dma_start3A_19 = arith.constant 1 : i32
    %dma_start3A_20 = arith.constant 0 : i32
    %dma_start3A_21 = arith.constant 0 : i32
    %dma_start3A_22 = tpu.memref_slice %arg4[%dma_start3A_19, %dma_start3A_20, %dma_start3A_21] : memref<2x128x128xi32, #tpu.memory_space<vmem>> -> memref<1x128x128xi32, #tpu.memory_space<vmem>>
    %dma_start3A_23 = tpu.memref_squeeze %dma_start3A_22 : memref<1x128x128xi32, #tpu.memory_space<vmem>> -> memref<128x128xi32, #tpu.memory_space<vmem>>
    %dma_start3A_24 = arith.constant 0 : i32
    %dma_start3A_25 = tpu.memref_slice %arg2[%add3A_18, %dma_start3A_24] : memref<65536x128xi32, #tpu.memory_space<hbm>> -> memref<128x128xi32, #tpu.memory_space<hbm>>
    %dma_start3A_26 = arith.constant 0 : i32
    %dma_start3A_27 = arith.constant 0 : i32
    %dma_start3A_28 = tpu.memref_slice %arg4[%dma_start3A_19, %dma_start3A_26, %dma_start3A_27] : memref<2x128x128xi32, #tpu.memory_space<vmem>> -> memref<1x128x128xi32, #tpu.memory_space<vmem>>
    %dma_start3A_29 = tpu.memref_squeeze %dma_start3A_28 : memref<1x128x128xi32, #tpu.memory_space<vmem>> -> memref<128x128xi32, #tpu.memory_space<vmem>>
    %dma_start3A_30 = arith.constant 0 : i32
    %dma_start3A_31 = tpu.memref_slice %arg2[%add3A_18, %dma_start3A_30] : memref<65536x128xi32, #tpu.memory_space<hbm>> -> memref<128x128xi32, #tpu.memory_space<hbm>>
    tpu.enqueue_dma source(%dma_start3A_31 : memref<128x128xi32, #tpu.memory_space<hbm>>) target(%dma_start3A_29 : memref<128x128xi32, #tpu.memory_space<vmem>>) target_semaphore(%arg7 : memref<!tpu.dma_semaphore, #tpu.memory_space<semaphore_mem>>)
    %parallel_loop3A = arith.constant 0 : i32
    %parallel_loop3A_32 = arith.constant 65536 : i32
    %parallel_loop3A_33 = arith.constant 16 : i32
    scf.for %parallel_loop3A_74 = %parallel_loop3A to %parallel_loop3A_32 step %parallel_loop3A_33  : i32 {
      %parallel_loop3A_75 = arith.constant 0 : i32
      %parallel_loop3A_76 = vector.broadcast %parallel_loop3A_75 : i32 to vector<16xi32>
      %parallel_loop3A_77 = arith.index_cast %parallel_loop3A_74 : i32 to index
      %parallel_loop3A_78 = tpu.vector_load %arg5[%parallel_loop3A_77] {strides = array<i32>} : memref<65536xi32, #tpu.memory_space<vmem>>, vector<16xi32>,
      tpu.vector_store %arg5[%parallel_loop3A_77], %parallel_loop3A_76 {strides = array<i32>} : memref<65536xi32, #tpu.memory_space<vmem>>, vector<16xi32>,
    } {sc.loop_unroll_factor = 16 : i64, sc.parallel_access}
    %scan3A = arith.constant 0 : i32
    %scan3A_34 = arith.constant 0 : i32
    %scan3A_35 = arith.constant 7 : i32
    %scan3A_36 = arith.addi %scan3A_34, %scan3A_35 : i32
    %scan3A_37 = arith.constant 1 : i32
    scf.for %scan3A_74 = %scan3A_34 to %scan3A_36 step %scan3A_37  : i32 {
      %dma_wait3A_75 = arith.constant 0 : i32
      %dma_wait3A_76 = arith.constant 0 : i32
      %dma_wait3A_77 = arith.constant 0 : i32
      %dma_wait3A_78 = tpu.memref_slice %arg4[%dma_wait3A_75, %dma_wait3A_76, %dma_wait3A_77] : memref<2x128x128xi32, #tpu.memory_space<vmem>> -> memref<1x128x128xi32, #tpu.memory_space<vmem>>
      %dma_wait3A_79 = tpu.memref_squeeze %dma_wait3A_78 : memref<1x128x128xi32, #tpu.memory_space<vmem>> -> memref<128x128xi32, #tpu.memory_space<vmem>>
      %dma_wait3A_80 = arith.constant 0 : i32
      %dma_wait3A_81 = arith.constant 0 : i32
      %dma_wait3A_82 = tpu.memref_slice %arg2[%dma_wait3A_80, %dma_wait3A_81] : memref<65536x128xi32, #tpu.memory_space<hbm>> -> memref<128x128xi32, #tpu.memory_space<hbm>>
      %dma_wait3A_83 = arith.constant 0 : i32
      %dma_wait3A_84 = arith.constant 0 : i32
      %dma_wait3A_85 = tpu.memref_slice %arg4[%dma_wait3A_75, %dma_wait3A_83, %dma_wait3A_84] : memref<2x128x128xi32, #tpu.memory_space<vmem>> -> memref<1x128x128xi32, #tpu.memory_space<vmem>>
      %dma_wait3A_86 = tpu.memref_squeeze %dma_wait3A_85 : memref<1x128x128xi32, #tpu.memory_space<vmem>> -> memref<128x128xi32, #tpu.memory_space<vmem>>
      %dma_wait3A_87 = arith.constant 0 : i32
      %dma_wait3A_88 = arith.constant 0 : i32
      %dma_wait3A_89 = tpu.memref_slice %arg2[%dma_wait3A_87, %dma_wait3A_88] : memref<65536x128xi32, #tpu.memory_space<hbm>> -> memref<128x128xi32, #tpu.memory_space<hbm>>
      tpu.wait_dma2 semaphore(%arg6 : memref<!tpu.dma_semaphore, #tpu.memory_space<semaphore_mem>>) src(%dma_wait3A_89 : memref<128x128xi32, #tpu.memory_space<hbm>>) dst(%dma_wait3A_86 : memref<128x128xi32, #tpu.memory_space<vmem>>)
      %parallel_loop3A_90 = arith.constant 0 : i32
      %parallel_loop3A_91 = arith.constant 128 : i32
      %parallel_loop3A_92 = arith.constant 1 : i32
      scf.for %parallel_loop3A_151 = %parallel_loop3A_90 to %parallel_loop3A_91 step %parallel_loop3A_92  : i32 {
        %parallel_loop3A_152 = arith.constant 0 : i32
        %parallel_loop3A_153 = arith.index_cast %parallel_loop3A_152 : i32 to index
        %parallel_loop3A_154 = arith.index_cast %parallel_loop3A_151 : i32 to index
        %parallel_loop3A_155 = arith.constant 0 : index
        %parallel_loop3A_156 = tpu.vector_load %arg4[%parallel_loop3A_153, %parallel_loop3A_154, %parallel_loop3A_155] {strides = array<i32>} : memref<2x128x128xi32, #tpu.memory_space<vmem>>, vector<16xi32>,
        %parallel_loop3A_157 = arith.constant true
        %parallel_loop3A_158 = vector.broadcast %parallel_loop3A_157 : i1 to vector<16xi1>
        %parallel_loop3A_159, %parallel_loop3A_160 = tpu.scan_count mask(%parallel_loop3A_158 : vector<16xi1>) value(%parallel_loop3A_156 : vector<16xi32>) : vector<16xi1>, vector<16xi32>
        tpu.vector_store_idx %arg5[%parallel_loop3A_156], %parallel_loop3A_160 masked %parallel_loop3A_159 {add = true} : memref<65536xi32, #tpu.memory_space<vmem>>[vector<16xi32>], vector<16xi32>, vector<16xi1>
        %parallel_loop3A_161 = arith.constant 0 : i32
        %parallel_loop3A_162 = arith.index_cast %parallel_loop3A_161 : i32 to index
        %parallel_loop3A_163 = arith.index_cast %parallel_loop3A_151 : i32 to index
        %parallel_loop3A_164 = arith.constant 16 : index
        %parallel_loop3A_165 = tpu.vector_load %arg4[%parallel_loop3A_162, %parallel_loop3A_163, %parallel_loop3A_164] {strides = array<i32>} : memref<2x128x128xi32, #tpu.memory_space<vmem>>, vector<16xi32>,
        %parallel_loop3A_166 = arith.constant true
        %parallel_loop3A_167 = vector.broadcast %parallel_loop3A_166 : i1 to vector<16xi1>
        %parallel_loop3A_168, %parallel_loop3A_169 = tpu.scan_count mask(%parallel_loop3A_167 : vector<16xi1>) value(%parallel_loop3A_165 : vector<16xi32>) : vector<16xi1>, vector<16xi32>
        tpu.vector_store_idx %arg5[%parallel_loop3A_165], %parallel_loop3A_169 masked %parallel_loop3A_168 {add = true} : memref<65536xi32, #tpu.memory_space<vmem>>[vector<16xi32>], vector<16xi32>, vector<16xi1>
        %parallel_loop3A_170 = arith.constant 0 : i32
        %parallel_loop3A_171 = arith.index_cast %parallel_loop3A_170 : i32 to index
        %parallel_loop3A_172 = arith.index_cast %parallel_loop3A_151 : i32 to index
        %parallel_loop3A_173 = arith.constant 32 : index
        %parallel_loop3A_174 = tpu.vector_load %arg4[%parallel_loop3A_171, %parallel_loop3A_172, %parallel_loop3A_173] {strides = array<i32>} : memref<2x128x128xi32, #tpu.memory_space<vmem>>, vector<16xi32>,
        %parallel_loop3A_175 = arith.constant true
        %parallel_loop3A_176 = vector.broadcast %parallel_loop3A_175 : i1 to vector<16xi1>
        %parallel_loop3A_177, %parallel_loop3A_178 = tpu.scan_count mask(%parallel_loop3A_176 : vector<16xi1>) value(%parallel_loop3A_174 : vector<16xi32>) : vector<16xi1>, vector<16xi32>
        tpu.vector_store_idx %arg5[%parallel_loop3A_174], %parallel_loop3A_178 masked %parallel_loop3A_177 {add = true} : memref<65536xi32, #tpu.memory_space<vmem>>[vector<16xi32>], vector<16xi32>, vector<16xi1>
        %parallel_loop3A_179 = arith.constant 0 : i32
        %parallel_loop3A_180 = arith.index_cast %parallel_loop3A_179 : i32 to index
        %parallel_loop3A_181 = arith.index_cast %parallel_loop3A_151 : i32 to index
        %parallel_loop3A_182 = arith.constant 48 : index
        %parallel_loop3A_183 = tpu.vector_load %arg4[%parallel_loop3A_180, %parallel_loop3A_181, %parallel_loop3A_182] {strides = array<i32>} : memref<2x128x128xi32, #tpu.memory_space<vmem>>, vector<16xi32>,
        %parallel_loop3A_184 = arith.constant true
        %parallel_loop3A_185 = vector.broadcast %parallel_loop3A_184 : i1 to vector<16xi1>
        %parallel_loop3A_186, %parallel_loop3A_187 = tpu.scan_count mask(%parallel_loop3A_185 : vector<16xi1>) value(%parallel_loop3A_183 : vector<16xi32>) : vector<16xi1>, vector<16xi32>
        tpu.vector_store_idx %arg5[%parallel_loop3A_183], %parallel_loop3A_187 masked %parallel_loop3A_186 {add = true} : memref<65536xi32, #tpu.memory_space<vmem>>[vector<16xi32>], vector<16xi32>, vector<16xi1>
        %parallel_loop3A_188 = arith.constant 0 : i32
        %parallel_loop3A_189 = arith.index_cast %parallel_loop3A_188 : i32 to index
        %parallel_loop3A_190 = arith.index_cast %parallel_loop3A_151 : i32 to index
        %parallel_loop3A_191 = arith.constant 64 : index
        %parallel_loop3A_192 = tpu.vector_load %arg4[%parallel_loop3A_189, %parallel_loop3A_190, %parallel_loop3A_191] {strides = array<i32>} : memref<2x128x128xi32, #tpu.memory_space<vmem>>, vector<16xi32>,
        %parallel_loop3A_193 = arith.constant true
        %parallel_loop3A_194 = vector.broadcast %parallel_loop3A_193 : i1 to vector<16xi1>
        %parallel_loop3A_195, %parallel_loop3A_196 = tpu.scan_count mask(%parallel_loop3A_194 : vector<16xi1>) value(%parallel_loop3A_192 : vector<16xi32>) : vector<16xi1>, vector<16xi32>
        tpu.vector_store_idx %arg5[%parallel_loop3A_192], %parallel_loop3A_196 masked %parallel_loop3A_195 {add = true} : memref<65536xi32, #tpu.memory_space<vmem>>[vector<16xi32>], vector<16xi32>, vector<16xi1>
        %parallel_loop3A_197 = arith.constant 0 : i32
        %parallel_loop3A_198 = arith.index_cast %parallel_loop3A_197 : i32 to index
        %parallel_loop3A_199 = arith.index_cast %parallel_loop3A_151 : i32 to index
        %parallel_loop3A_200 = arith.constant 80 : index
        %parallel_loop3A_201 = tpu.vector_load %arg4[%parallel_loop3A_198, %parallel_loop3A_199, %parallel_loop3A_200] {strides = array<i32>} : memref<2x128x128xi32, #tpu.memory_space<vmem>>, vector<16xi32>,
        %parallel_loop3A_202 = arith.constant true
        %parallel_loop3A_203 = vector.broadcast %parallel_loop3A_202 : i1 to vector<16xi1>
        %parallel_loop3A_204, %parallel_loop3A_205 = tpu.scan_count mask(%parallel_loop3A_203 : vector<16xi1>) value(%parallel_loop3A_201 : vector<16xi32>) : vector<16xi1>, vector<16xi32>
        tpu.vector_store_idx %arg5[%parallel_loop3A_201], %parallel_loop3A_205 masked %parallel_loop3A_204 {add = true} : memref<65536xi32, #tpu.memory_space<vmem>>[vector<16xi32>], vector<16xi32>, vector<16xi1>
        %parallel_loop3A_206 = arith.constant 0 : i32
        %parallel_loop3A_207 = arith.index_cast %parallel_loop3A_206 : i32 to index
        %parallel_loop3A_208 = arith.index_cast %parallel_loop3A_151 : i32 to index
        %parallel_loop3A_209 = arith.constant 96 : index
        %parallel_loop3A_210 = tpu.vector_load %arg4[%parallel_loop3A_207, %parallel_loop3A_208, %parallel_loop3A_209] {strides = array<i32>} : memref<2x128x128xi32, #tpu.memory_space<vmem>>, vector<16xi32>,
        %parallel_loop3A_211 = arith.constant true
        %parallel_loop3A_212 = vector.broadcast %parallel_loop3A_211 : i1 to vector<16xi1>
        %parallel_loop3A_213, %parallel_loop3A_214 = tpu.scan_count mask(%parallel_loop3A_212 : vector<16xi1>) value(%parallel_loop3A_210 : vector<16xi32>) : vector<16xi1>, vector<16xi32>
        tpu.vector_store_idx %arg5[%parallel_loop3A_210], %parallel_loop3A_214 masked %parallel_loop3A_213 {add = true} : memref<65536xi32, #tpu.memory_space<vmem>>[vector<16xi32>], vector<16xi32>, vector<16xi1>
        %parallel_loop3A_215 = arith.constant 0 : i32
        %parallel_loop3A_216 = arith.index_cast %parallel_loop3A_215 : i32 to index
        %parallel_loop3A_217 = arith.index_cast %parallel_loop3A_151 : i32 to index
        %parallel_loop3A_218 = arith.constant 112 : index
        %parallel_loop3A_219 = tpu.vector_load %arg4[%parallel_loop3A_216, %parallel_loop3A_217, %parallel_loop3A_218] {strides = array<i32>} : memref<2x128x128xi32, #tpu.memory_space<vmem>>, vector<16xi32>,
        %parallel_loop3A_220 = arith.constant true
        %parallel_loop3A_221 = vector.broadcast %parallel_loop3A_220 : i1 to vector<16xi1>
        %parallel_loop3A_222, %parallel_loop3A_223 = tpu.scan_count mask(%parallel_loop3A_221 : vector<16xi1>) value(%parallel_loop3A_219 : vector<16xi32>) : vector<16xi1>, vector<16xi32>
        tpu.vector_store_idx %arg5[%parallel_loop3A_219], %parallel_loop3A_223 masked %parallel_loop3A_222 {add = true} : memref<65536xi32, #tpu.memory_space<vmem>>[vector<16xi32>], vector<16xi32>, vector<16xi1>
      } {sc.loop_unroll_factor = 1 : i64, sc.parallel_access}
      %mul3A_93 = arith.constant 2 : i32
      %mul3A_94 = arith.muli %mul3A_93, %scan3A_74 : i32
      %add3A_95 = arith.constant 2 : i32
      %add3A_96 = arith.addi %mul3A_94, %add3A_95 : i32
      %mul3A_97 = arith.constant 128 : i32
      %mul3A_98 = arith.muli %add3A_96, %mul3A_97 : i32
      %add3A_99 = arith.addi %mul3A_2, %mul3A_98 : i32
      %dma_start3A_100 = arith.constant 0 : i32
      %dma_start3A_101 = arith.constant 0 : i32
      %dma_start3A_102 = arith.constant 0 : i32
      %dma_start3A_103 = tpu.memref_slice %arg4[%dma_start3A_100, %dma_start3A_101, %dma_start3A_102] : memref<2x128x128xi32, #tpu.memory_space<vmem>> -> memref<1x128x128xi32, #tpu.memory_space<vmem>>
      %dma_start3A_104 = tpu.memref_squeeze %dma_start3A_103 : memref<1x128x128xi32, #tpu.memory_space<vmem>> -> memref<128x128xi32, #tpu.memory_space<vmem>>
      %dma_start3A_105 = arith.constant 0 : i32
      %dma_start3A_106 = tpu.memref_slice %arg2[%add3A_99, %dma_start3A_105] : memref<65536x128xi32, #tpu.memory_space<hbm>> -> memref<128x128xi32, #tpu.memory_space<hbm>>
      %dma_start3A_107 = arith.constant 0 : i32
      %dma_start3A_108 = arith.constant 0 : i32
      %dma_start3A_109 = tpu.memref_slice %arg4[%dma_start3A_100, %dma_start3A_107, %dma_start3A_108] : memref<2x128x128xi32, #tpu.memory_space<vmem>> -> memref<1x128x128xi32, #tpu.memory_space<vmem>>
      %dma_start3A_110 = tpu.memref_squeeze %dma_start3A_109 : memref<1x128x128xi32, #tpu.memory_space<vmem>> -> memref<128x128xi32, #tpu.memory_space<vmem>>
      %dma_start3A_111 = arith.constant 0 : i32
      %dma_start3A_112 = tpu.memref_slice %arg2[%add3A_99, %dma_start3A_111] : memref<65536x128xi32, #tpu.memory_space<hbm>> -> memref<128x128xi32, #tpu.memory_space<hbm>>
      tpu.enqueue_dma source(%dma_start3A_112 : memref<128x128xi32, #tpu.memory_space<hbm>>) target(%dma_start3A_110 : memref<128x128xi32, #tpu.memory_space<vmem>>) target_semaphore(%arg6 : memref<!tpu.dma_semaphore, #tpu.memory_space<semaphore_mem>>)
      %dma_wait3A_113 = arith.constant 1 : i32
      %dma_wait3A_114 = arith.constant 0 : i32
      %dma_wait3A_115 = arith.constant 0 : i32
      %dma_wait3A_116 = tpu.memref_slice %arg4[%dma_wait3A_113, %dma_wait3A_114, %dma_wait3A_115] : memref<2x128x128xi32, #tpu.memory_space<vmem>> -> memref<1x128x128xi32, #tpu.memory_space<vmem>>
      %dma_wait3A_117 = tpu.memref_squeeze %dma_wait3A_116 : memref<1x128x128xi32, #tpu.memory_space<vmem>> -> memref<128x128xi32, #tpu.memory_space<vmem>>
      %dma_wait3A_118 = arith.constant 0 : i32
      %dma_wait3A_119 = arith.constant 0 : i32
      %dma_wait3A_120 = tpu.memref_slice %arg2[%dma_wait3A_118, %dma_wait3A_119] : memref<65536x128xi32, #tpu.memory_space<hbm>> -> memref<128x128xi32, #tpu.memory_space<hbm>>
      %dma_wait3A_121 = arith.constant 0 : i32
      %dma_wait3A_122 = arith.constant 0 : i32
      %dma_wait3A_123 = tpu.memref_slice %arg4[%dma_wait3A_113, %dma_wait3A_121, %dma_wait3A_122] : memref<2x128x128xi32, #tpu.memory_space<vmem>> -> memref<1x128x128xi32, #tpu.memory_space<vmem>>
      %dma_wait3A_124 = tpu.memref_squeeze %dma_wait3A_123 : memref<1x128x128xi32, #tpu.memory_space<vmem>> -> memref<128x128xi32, #tpu.memory_space<vmem>>
      %dma_wait3A_125 = arith.constant 0 : i32
      %dma_wait3A_126 = arith.constant 0 : i32
      %dma_wait3A_127 = tpu.memref_slice %arg2[%dma_wait3A_125, %dma_wait3A_126] : memref<65536x128xi32, #tpu.memory_space<hbm>> -> memref<128x128xi32, #tpu.memory_space<hbm>>
      tpu.wait_dma2 semaphore(%arg7 : memref<!tpu.dma_semaphore, #tpu.memory_space<semaphore_mem>>) src(%dma_wait3A_127 : memref<128x128xi32, #tpu.memory_space<hbm>>) dst(%dma_wait3A_124 : memref<128x128xi32, #tpu.memory_space<vmem>>)
      %parallel_loop3A_128 = arith.constant 0 : i32
      %parallel_loop3A_129 = arith.constant 128 : i32
      %parallel_loop3A_130 = arith.constant 1 : i32
      scf.for %parallel_loop3A_151 = %parallel_loop3A_128 to %parallel_loop3A_129 step %parallel_loop3A_130  : i32 {
        %parallel_loop3A_152 = arith.constant 1 : i32
        %parallel_loop3A_153 = arith.index_cast %parallel_loop3A_152 : i32 to index
        %parallel_loop3A_154 = arith.index_cast %parallel_loop3A_151 : i32 to index
        %parallel_loop3A_155 = arith.constant 0 : index
        %parallel_loop3A_156 = tpu.vector_load %arg4[%parallel_loop3A_153, %parallel_loop3A_154, %parallel_loop3A_155] {strides = array<i32>} : memref<2x128x128xi32, #tpu.memory_space<vmem>>, vector<16xi32>,
        %parallel_loop3A_157 = arith.constant true
        %parallel_loop3A_158 = vector.broadcast %parallel_loop3A_157 : i1 to vector<16xi1>
        %parallel_loop3A_159, %parallel_loop3A_160 = tpu.scan_count mask(%parallel_loop3A_158 : vector<16xi1>) value(%parallel_loop3A_156 : vector<16xi32>) : vector<16xi1>, vector<16xi32>
        tpu.vector_store_idx %arg5[%parallel_loop3A_156], %parallel_loop3A_160 masked %parallel_loop3A_159 {add = true} : memref<65536xi32, #tpu.memory_space<vmem>>[vector<16xi32>], vector<16xi32>, vector<16xi1>
        %parallel_loop3A_161 = arith.constant 1 : i32
        %parallel_loop3A_162 = arith.index_cast %parallel_loop3A_161 : i32 to index
        %parallel_loop3A_163 = arith.index_cast %parallel_loop3A_151 : i32 to index
        %parallel_loop3A_164 = arith.constant 16 : index
        %parallel_loop3A_165 = tpu.vector_load %arg4[%parallel_loop3A_162, %parallel_loop3A_163, %parallel_loop3A_164] {strides = array<i32>} : memref<2x128x128xi32, #tpu.memory_space<vmem>>, vector<16xi32>,
        %parallel_loop3A_166 = arith.constant true
        %parallel_loop3A_167 = vector.broadcast %parallel_loop3A_166 : i1 to vector<16xi1>
        %parallel_loop3A_168, %parallel_loop3A_169 = tpu.scan_count mask(%parallel_loop3A_167 : vector<16xi1>) value(%parallel_loop3A_165 : vector<16xi32>) : vector<16xi1>, vector<16xi32>
        tpu.vector_store_idx %arg5[%parallel_loop3A_165], %parallel_loop3A_169 masked %parallel_loop3A_168 {add = true} : memref<65536xi32, #tpu.memory_space<vmem>>[vector<16xi32>], vector<16xi32>, vector<16xi1>
        %parallel_loop3A_170 = arith.constant 1 : i32
        %parallel_loop3A_171 = arith.index_cast %parallel_loop3A_170 : i32 to index
        %parallel_loop3A_172 = arith.index_cast %parallel_loop3A_151 : i32 to index
        %parallel_loop3A_173 = arith.constant 32 : index
        %parallel_loop3A_174 = tpu.vector_load %arg4[%parallel_loop3A_171, %parallel_loop3A_172, %parallel_loop3A_173] {strides = array<i32>} : memref<2x128x128xi32, #tpu.memory_space<vmem>>, vector<16xi32>,
        %parallel_loop3A_175 = arith.constant true
        %parallel_loop3A_176 = vector.broadcast %parallel_loop3A_175 : i1 to vector<16xi1>
        %parallel_loop3A_177, %parallel_loop3A_178 = tpu.scan_count mask(%parallel_loop3A_176 : vector<16xi1>) value(%parallel_loop3A_174 : vector<16xi32>) : vector<16xi1>, vector<16xi32>
        tpu.vector_store_idx %arg5[%parallel_loop3A_174], %parallel_loop3A_178 masked %parallel_loop3A_177 {add = true} : memref<65536xi32, #tpu.memory_space<vmem>>[vector<16xi32>], vector<16xi32>, vector<16xi1>
        %parallel_loop3A_179 = arith.constant 1 : i32
        %parallel_loop3A_180 = arith.index_cast %parallel_loop3A_179 : i32 to index
        %parallel_loop3A_181 = arith.index_cast %parallel_loop3A_151 : i32 to index
        %parallel_loop3A_182 = arith.constant 48 : index
        %parallel_loop3A_183 = tpu.vector_load %arg4[%parallel_loop3A_180, %parallel_loop3A_181, %parallel_loop3A_182] {strides = array<i32>} : memref<2x128x128xi32, #tpu.memory_space<vmem>>, vector<16xi32>,
        %parallel_loop3A_184 = arith.constant true
        %parallel_loop3A_185 = vector.broadcast %parallel_loop3A_184 : i1 to vector<16xi1>
        %parallel_loop3A_186, %parallel_loop3A_187 = tpu.scan_count mask(%parallel_loop3A_185 : vector<16xi1>) value(%parallel_loop3A_183 : vector<16xi32>) : vector<16xi1>, vector<16xi32>
        tpu.vector_store_idx %arg5[%parallel_loop3A_183], %parallel_loop3A_187 masked %parallel_loop3A_186 {add = true} : memref<65536xi32, #tpu.memory_space<vmem>>[vector<16xi32>], vector<16xi32>, vector<16xi1>
        %parallel_loop3A_188 = arith.constant 1 : i32
        %parallel_loop3A_189 = arith.index_cast %parallel_loop3A_188 : i32 to index
        %parallel_loop3A_190 = arith.index_cast %parallel_loop3A_151 : i32 to index
        %parallel_loop3A_191 = arith.constant 64 : index
        %parallel_loop3A_192 = tpu.vector_load %arg4[%parallel_loop3A_189, %parallel_loop3A_190, %parallel_loop3A_191] {strides = array<i32>} : memref<2x128x128xi32, #tpu.memory_space<vmem>>, vector<16xi32>,
        %parallel_loop3A_193 = arith.constant true
        %parallel_loop3A_194 = vector.broadcast %parallel_loop3A_193 : i1 to vector<16xi1>
        %parallel_loop3A_195, %parallel_loop3A_196 = tpu.scan_count mask(%parallel_loop3A_194 : vector<16xi1>) value(%parallel_loop3A_192 : vector<16xi32>) : vector<16xi1>, vector<16xi32>
        tpu.vector_store_idx %arg5[%parallel_loop3A_192], %parallel_loop3A_196 masked %parallel_loop3A_195 {add = true} : memref<65536xi32, #tpu.memory_space<vmem>>[vector<16xi32>], vector<16xi32>, vector<16xi1>
        %parallel_loop3A_197 = arith.constant 1 : i32
        %parallel_loop3A_198 = arith.index_cast %parallel_loop3A_197 : i32 to index
        %parallel_loop3A_199 = arith.index_cast %parallel_loop3A_151 : i32 to index
        %parallel_loop3A_200 = arith.constant 80 : index
        %parallel_loop3A_201 = tpu.vector_load %arg4[%parallel_loop3A_198, %parallel_loop3A_199, %parallel_loop3A_200] {strides = array<i32>} : memref<2x128x128xi32, #tpu.memory_space<vmem>>, vector<16xi32>,
        %parallel_loop3A_202 = arith.constant true
        %parallel_loop3A_203 = vector.broadcast %parallel_loop3A_202 : i1 to vector<16xi1>
        %parallel_loop3A_204, %parallel_loop3A_205 = tpu.scan_count mask(%parallel_loop3A_203 : vector<16xi1>) value(%parallel_loop3A_201 : vector<16xi32>) : vector<16xi1>, vector<16xi32>
        tpu.vector_store_idx %arg5[%parallel_loop3A_201], %parallel_loop3A_205 masked %parallel_loop3A_204 {add = true} : memref<65536xi32, #tpu.memory_space<vmem>>[vector<16xi32>], vector<16xi32>, vector<16xi1>
        %parallel_loop3A_206 = arith.constant 1 : i32
        %parallel_loop3A_207 = arith.index_cast %parallel_loop3A_206 : i32 to index
        %parallel_loop3A_208 = arith.index_cast %parallel_loop3A_151 : i32 to index
        %parallel_loop3A_209 = arith.constant 96 : index
        %parallel_loop3A_210 = tpu.vector_load %arg4[%parallel_loop3A_207, %parallel_loop3A_208, %parallel_loop3A_209] {strides = array<i32>} : memref<2x128x128xi32, #tpu.memory_space<vmem>>, vector<16xi32>,
        %parallel_loop3A_211 = arith.constant true
        %parallel_loop3A_212 = vector.broadcast %parallel_loop3A_211 : i1 to vector<16xi1>
        %parallel_loop3A_213, %parallel_loop3A_214 = tpu.scan_count mask(%parallel_loop3A_212 : vector<16xi1>) value(%parallel_loop3A_210 : vector<16xi32>) : vector<16xi1>, vector<16xi32>
        tpu.vector_store_idx %arg5[%parallel_loop3A_210], %parallel_loop3A_214 masked %parallel_loop3A_213 {add = true} : memref<65536xi32, #tpu.memory_space<vmem>>[vector<16xi32>], vector<16xi32>, vector<16xi1>
        %parallel_loop3A_215 = arith.constant 1 : i32
        %parallel_loop3A_216 = arith.index_cast %parallel_loop3A_215 : i32 to index
        %parallel_loop3A_217 = arith.index_cast %parallel_loop3A_151 : i32 to index
        %parallel_loop3A_218 = arith.constant 112 : index
        %parallel_loop3A_219 = tpu.vector_load %arg4[%parallel_loop3A_216, %parallel_loop3A_217, %parallel_loop3A_218] {strides = array<i32>} : memref<2x128x128xi32, #tpu.memory_space<vmem>>, vector<16xi32>,
        %parallel_loop3A_220 = arith.constant true
        %parallel_loop3A_221 = vector.broadcast %parallel_loop3A_220 : i1 to vector<16xi1>
        %parallel_loop3A_222, %parallel_loop3A_223 = tpu.scan_count mask(%parallel_loop3A_221 : vector<16xi1>) value(%parallel_loop3A_219 : vector<16xi32>) : vector<16xi1>, vector<16xi32>
        tpu.vector_store_idx %arg5[%parallel_loop3A_219], %parallel_loop3A_223 masked %parallel_loop3A_222 {add = true} : memref<65536xi32, #tpu.memory_space<vmem>>[vector<16xi32>], vector<16xi32>, vector<16xi1>
      } {sc.loop_unroll_factor = 1 : i64, sc.parallel_access}
      %mul3A_131 = arith.constant 2 : i32
      %mul3A_132 = arith.muli %mul3A_131, %scan3A_74 : i32
      %add3A_133 = arith.constant 3 : i32
      %add3A_134 = arith.addi %mul3A_132, %add3A_133 : i32
      %mul3A_135 = arith.constant 128 : i32
      %mul3A_136 = arith.muli %add3A_134, %mul3A_135 : i32
      %add3A_137 = arith.addi %mul3A_2, %mul3A_136 : i32
      %dma_start3A_138 = arith.constant 1 : i32
      %dma_start3A_139 = arith.constant 0 : i32
      %dma_start3A_140 = arith.constant 0 : i32
      %dma_start3A_141 = tpu.memref_slice %arg4[%dma_start3A_138, %dma_start3A_139, %dma_start3A_140] : memref<2x128x128xi32, #tpu.memory_space<vmem>> -> memref<1x128x128xi32, #tpu.memory_space<vmem>>
      %dma_start3A_142 = tpu.memref_squeeze %dma_start3A_141 : memref<1x128x128xi32, #tpu.memory_space<vmem>> -> memref<128x128xi32, #tpu.memory_space<vmem>>
      %dma_start3A_143 = arith.constant 0 : i32
      %dma_start3A_144 = tpu.memref_slice %arg2[%add3A_137, %dma_start3A_143] : memref<65536x128xi32, #tpu.memory_space<hbm>> -> memref<128x128xi32, #tpu.memory_space<hbm>>
      %dma_start3A_145 = arith.constant 0 : i32
      %dma_start3A_146 = arith.constant 0 : i32
      %dma_start3A_147 = tpu.memref_slice %arg4[%dma_start3A_138, %dma_start3A_145, %dma_start3A_146] : memref<2x128x128xi32, #tpu.memory_space<vmem>> -> memref<1x128x128xi32, #tpu.memory_space<vmem>>
      %dma_start3A_148 = tpu.memref_squeeze %dma_start3A_147 : memref<1x128x128xi32, #tpu.memory_space<vmem>> -> memref<128x128xi32, #tpu.memory_space<vmem>>
      %dma_start3A_149 = arith.constant 0 : i32
      %dma_start3A_150 = tpu.memref_slice %arg2[%add3A_137, %dma_start3A_149] : memref<65536x128xi32, #tpu.memory_space<hbm>> -> memref<128x128xi32, #tpu.memory_space<hbm>>
      tpu.enqueue_dma source(%dma_start3A_150 : memref<128x128xi32, #tpu.memory_space<hbm>>) target(%dma_start3A_148 : memref<128x128xi32, #tpu.memory_space<vmem>>) target_semaphore(%arg7 : memref<!tpu.dma_semaphore, #tpu.memory_space<semaphore_mem>>)
    }
    %scan3A_38 = arith.constant 7 : i32
    %dma_wait3A = arith.constant 0 : i32
    %dma_wait3A_39 = arith.constant 0 : i32
    %dma_wait3A_40 = arith.constant 0 : i32
    %dma_wait3A_41 = tpu.memref_slice %arg4[%dma_wait3A, %dma_wait3A_39, %dma_wait3A_40] : memref<2x128x128xi32, #tpu.memory_space<vmem>> -> memref<1x128x128xi32, #tpu.memory_space<vmem>>
    %dma_wait3A_42 = tpu.memref_squeeze %dma_wait3A_41 : memref<1x128x128xi32, #tpu.memory_space<vmem>> -> memref<128x128xi32, #tpu.memory_space<vmem>>
    %dma_wait3A_43 = arith.constant 0 : i32
    %dma_wait3A_44 = arith.constant 0 : i32
    %dma_wait3A_45 = tpu.memref_slice %arg2[%dma_wait3A_43, %dma_wait3A_44] : memref<65536x128xi32, #tpu.memory_space<hbm>> -> memref<128x128xi32, #tpu.memory_space<hbm>>
    %dma_wait3A_46 = arith.constant 0 : i32
    %dma_wait3A_47 = arith.constant 0 : i32
    %dma_wait3A_48 = tpu.memref_slice %arg4[%dma_wait3A, %dma_wait3A_46, %dma_wait3A_47] : memref<2x128x128xi32, #tpu.memory_space<vmem>> -> memref<1x128x128xi32, #tpu.memory_space<vmem>>
    %dma_wait3A_49 = tpu.memref_squeeze %dma_wait3A_48 : memref<1x128x128xi32, #tpu.memory_space<vmem>> -> memref<128x128xi32, #tpu.memory_space<vmem>>
    %dma_wait3A_50 = arith.constant 0 : i32
    %dma_wait3A_51 = arith.constant 0 : i32
    %dma_wait3A_52 = tpu.memref_slice %arg2[%dma_wait3A_50, %dma_wait3A_51] : memref<65536x128xi32, #tpu.memory_space<hbm>> -> memref<128x128xi32, #tpu.memory_space<hbm>>
    tpu.wait_dma2 semaphore(%arg6 : memref<!tpu.dma_semaphore, #tpu.memory_space<semaphore_mem>>) src(%dma_wait3A_52 : memref<128x128xi32, #tpu.memory_space<hbm>>) dst(%dma_wait3A_49 : memref<128x128xi32, #tpu.memory_space<vmem>>)
    %parallel_loop3A_53 = arith.constant 0 : i32
    %parallel_loop3A_54 = arith.constant 128 : i32
    %parallel_loop3A_55 = arith.constant 1 : i32
    scf.for %parallel_loop3A_74 = %parallel_loop3A_53 to %parallel_loop3A_54 step %parallel_loop3A_55  : i32 {
      %parallel_loop3A_75 = arith.constant 0 : i32
      %parallel_loop3A_76 = arith.index_cast %parallel_loop3A_75 : i32 to index
      %parallel_loop3A_77 = arith.index_cast %parallel_loop3A_74 : i32 to index
      %parallel_loop3A_78 = arith.constant 0 : index
      %parallel_loop3A_79 = tpu.vector_load %arg4[%parallel_loop3A_76, %parallel_loop3A_77, %parallel_loop3A_78] {strides = array<i32>} : memref<2x128x128xi32, #tpu.memory_space<vmem>>, vector<16xi32>,
      %parallel_loop3A_80 = arith.constant true
      %parallel_loop3A_81 = vector.broadcast %parallel_loop3A_80 : i1 to vector<16xi1>
      %parallel_loop3A_82, %parallel_loop3A_83 = tpu.scan_count mask(%parallel_loop3A_81 : vector<16xi1>) value(%parallel_loop3A_79 : vector<16xi32>) : vector<16xi1>, vector<16xi32>
      tpu.vector_store_idx %arg5[%parallel_loop3A_79], %parallel_loop3A_83 masked %parallel_loop3A_82 {add = true} : memref<65536xi32, #tpu.memory_space<vmem>>[vector<16xi32>], vector<16xi32>, vector<16xi1>
      %parallel_loop3A_84 = arith.constant 0 : i32
      %parallel_loop3A_85 = arith.index_cast %parallel_loop3A_84 : i32 to index
      %parallel_loop3A_86 = arith.index_cast %parallel_loop3A_74 : i32 to index
      %parallel_loop3A_87 = arith.constant 16 : index
      %parallel_loop3A_88 = tpu.vector_load %arg4[%parallel_loop3A_85, %parallel_loop3A_86, %parallel_loop3A_87] {strides = array<i32>} : memref<2x128x128xi32, #tpu.memory_space<vmem>>, vector<16xi32>,
      %parallel_loop3A_89 = arith.constant true
      %parallel_loop3A_90 = vector.broadcast %parallel_loop3A_89 : i1 to vector<16xi1>
      %parallel_loop3A_91, %parallel_loop3A_92 = tpu.scan_count mask(%parallel_loop3A_90 : vector<16xi1>) value(%parallel_loop3A_88 : vector<16xi32>) : vector<16xi1>, vector<16xi32>
      tpu.vector_store_idx %arg5[%parallel_loop3A_88], %parallel_loop3A_92 masked %parallel_loop3A_91 {add = true} : memref<65536xi32, #tpu.memory_space<vmem>>[vector<16xi32>], vector<16xi32>, vector<16xi1>
      %parallel_loop3A_93 = arith.constant 0 : i32
      %parallel_loop3A_94 = arith.index_cast %parallel_loop3A_93 : i32 to index
      %parallel_loop3A_95 = arith.index_cast %parallel_loop3A_74 : i32 to index
      %parallel_loop3A_96 = arith.constant 32 : index
      %parallel_loop3A_97 = tpu.vector_load %arg4[%parallel_loop3A_94, %parallel_loop3A_95, %parallel_loop3A_96] {strides = array<i32>} : memref<2x128x128xi32, #tpu.memory_space<vmem>>, vector<16xi32>,
      %parallel_loop3A_98 = arith.constant true
      %parallel_loop3A_99 = vector.broadcast %parallel_loop3A_98 : i1 to vector<16xi1>
      %parallel_loop3A_100, %parallel_loop3A_101 = tpu.scan_count mask(%parallel_loop3A_99 : vector<16xi1>) value(%parallel_loop3A_97 : vector<16xi32>) : vector<16xi1>, vector<16xi32>
      tpu.vector_store_idx %arg5[%parallel_loop3A_97], %parallel_loop3A_101 masked %parallel_loop3A_100 {add = true} : memref<65536xi32, #tpu.memory_space<vmem>>[vector<16xi32>], vector<16xi32>, vector<16xi1>
      %parallel_loop3A_102 = arith.constant 0 : i32
      %parallel_loop3A_103 = arith.index_cast %parallel_loop3A_102 : i32 to index
      %parallel_loop3A_104 = arith.index_cast %parallel_loop3A_74 : i32 to index
      %parallel_loop3A_105 = arith.constant 48 : index
      %parallel_loop3A_106 = tpu.vector_load %arg4[%parallel_loop3A_103, %parallel_loop3A_104, %parallel_loop3A_105] {strides = array<i32>} : memref<2x128x128xi32, #tpu.memory_space<vmem>>, vector<16xi32>,
      %parallel_loop3A_107 = arith.constant true
      %parallel_loop3A_108 = vector.broadcast %parallel_loop3A_107 : i1 to vector<16xi1>
      %parallel_loop3A_109, %parallel_loop3A_110 = tpu.scan_count mask(%parallel_loop3A_108 : vector<16xi1>) value(%parallel_loop3A_106 : vector<16xi32>) : vector<16xi1>, vector<16xi32>
      tpu.vector_store_idx %arg5[%parallel_loop3A_106], %parallel_loop3A_110 masked %parallel_loop3A_109 {add = true} : memref<65536xi32, #tpu.memory_space<vmem>>[vector<16xi32>], vector<16xi32>, vector<16xi1>
      %parallel_loop3A_111 = arith.constant 0 : i32
      %parallel_loop3A_112 = arith.index_cast %parallel_loop3A_111 : i32 to index
      %parallel_loop3A_113 = arith.index_cast %parallel_loop3A_74 : i32 to index
      %parallel_loop3A_114 = arith.constant 64 : index
      %parallel_loop3A_115 = tpu.vector_load %arg4[%parallel_loop3A_112, %parallel_loop3A_113, %parallel_loop3A_114] {strides = array<i32>} : memref<2x128x128xi32, #tpu.memory_space<vmem>>, vector<16xi32>,
      %parallel_loop3A_116 = arith.constant true
      %parallel_loop3A_117 = vector.broadcast %parallel_loop3A_116 : i1 to vector<16xi1>
      %parallel_loop3A_118, %parallel_loop3A_119 = tpu.scan_count mask(%parallel_loop3A_117 : vector<16xi1>) value(%parallel_loop3A_115 : vector<16xi32>) : vector<16xi1>, vector<16xi32>
      tpu.vector_store_idx %arg5[%parallel_loop3A_115], %parallel_loop3A_119 masked %parallel_loop3A_118 {add = true} : memref<65536xi32, #tpu.memory_space<vmem>>[vector<16xi32>], vector<16xi32>, vector<16xi1>
      %parallel_loop3A_120 = arith.constant 0 : i32
      %parallel_loop3A_121 = arith.index_cast %parallel_loop3A_120 : i32 to index
      %parallel_loop3A_122 = arith.index_cast %parallel_loop3A_74 : i32 to index
      %parallel_loop3A_123 = arith.constant 80 : index
      %parallel_loop3A_124 = tpu.vector_load %arg4[%parallel_loop3A_121, %parallel_loop3A_122, %parallel_loop3A_123] {strides = array<i32>} : memref<2x128x128xi32, #tpu.memory_space<vmem>>, vector<16xi32>,
      %parallel_loop3A_125 = arith.constant true
      %parallel_loop3A_126 = vector.broadcast %parallel_loop3A_125 : i1 to vector<16xi1>
      %parallel_loop3A_127, %parallel_loop3A_128 = tpu.scan_count mask(%parallel_loop3A_126 : vector<16xi1>) value(%parallel_loop3A_124 : vector<16xi32>) : vector<16xi1>, vector<16xi32>
      tpu.vector_store_idx %arg5[%parallel_loop3A_124], %parallel_loop3A_128 masked %parallel_loop3A_127 {add = true} : memref<65536xi32, #tpu.memory_space<vmem>>[vector<16xi32>], vector<16xi32>, vector<16xi1>
      %parallel_loop3A_129 = arith.constant 0 : i32
      %parallel_loop3A_130 = arith.index_cast %parallel_loop3A_129 : i32 to index
      %parallel_loop3A_131 = arith.index_cast %parallel_loop3A_74 : i32 to index
      %parallel_loop3A_132 = arith.constant 96 : index
      %parallel_loop3A_133 = tpu.vector_load %arg4[%parallel_loop3A_130, %parallel_loop3A_131, %parallel_loop3A_132] {strides = array<i32>} : memref<2x128x128xi32, #tpu.memory_space<vmem>>, vector<16xi32>,
      %parallel_loop3A_134 = arith.constant true
      %parallel_loop3A_135 = vector.broadcast %parallel_loop3A_134 : i1 to vector<16xi1>
      %parallel_loop3A_136, %parallel_loop3A_137 = tpu.scan_count mask(%parallel_loop3A_135 : vector<16xi1>) value(%parallel_loop3A_133 : vector<16xi32>) : vector<16xi1>, vector<16xi32>
      tpu.vector_store_idx %arg5[%parallel_loop3A_133], %parallel_loop3A_137 masked %parallel_loop3A_136 {add = true} : memref<65536xi32, #tpu.memory_space<vmem>>[vector<16xi32>], vector<16xi32>, vector<16xi1>
      %parallel_loop3A_138 = arith.constant 0 : i32
      %parallel_loop3A_139 = arith.index_cast %parallel_loop3A_138 : i32 to index
      %parallel_loop3A_140 = arith.index_cast %parallel_loop3A_74 : i32 to index
      %parallel_loop3A_141 = arith.constant 112 : index
      %parallel_loop3A_142 = tpu.vector_load %arg4[%parallel_loop3A_139, %parallel_loop3A_140, %parallel_loop3A_141] {strides = array<i32>} : memref<2x128x128xi32, #tpu.memory_space<vmem>>, vector<16xi32>,
      %parallel_loop3A_143 = arith.constant true
      %parallel_loop3A_144 = vector.broadcast %parallel_loop3A_143 : i1 to vector<16xi1>
      %parallel_loop3A_145, %parallel_loop3A_146 = tpu.scan_count mask(%parallel_loop3A_144 : vector<16xi1>) value(%parallel_loop3A_142 : vector<16xi32>) : vector<16xi1>, vector<16xi32>
      tpu.vector_store_idx %arg5[%parallel_loop3A_142], %parallel_loop3A_146 masked %parallel_loop3A_145 {add = true} : memref<65536xi32, #tpu.memory_space<vmem>>[vector<16xi32>], vector<16xi32>, vector<16xi1>
    } {sc.loop_unroll_factor = 1 : i64, sc.parallel_access}
    %dma_wait3A_56 = arith.constant 1 : i32
    %dma_wait3A_57 = arith.constant 0 : i32
    %dma_wait3A_58 = arith.constant 0 : i32
    %dma_wait3A_59 = tpu.memref_slice %arg4[%dma_wait3A_56, %dma_wait3A_57, %dma_wait3A_58] : memref<2x128x128xi32, #tpu.memory_space<vmem>> -> memref<1x128x128xi32, #tpu.memory_space<vmem>>
    %dma_wait3A_60 = tpu.memref_squeeze %dma_wait3A_59 : memref<1x128x128xi32, #tpu.memory_space<vmem>> -> memref<128x128xi32, #tpu.memory_space<vmem>>
    %dma_wait3A_61 = arith.constant 0 : i32
    %dma_wait3A_62 = arith.constant 0 : i32
    %dma_wait3A_63 = tpu.memref_slice %arg2[%dma_wait3A_61, %dma_wait3A_62] : memref<65536x128xi32, #tpu.memory_space<hbm>> -> memref<128x128xi32, #tpu.memory_space<hbm>>
    %dma_wait3A_64 = arith.constant 0 : i32
    %dma_wait3A_65 = arith.constant 0 : i32
    %dma_wait3A_66 = tpu.memref_slice %arg4[%dma_wait3A_56, %dma_wait3A_64, %dma_wait3A_65] : memref<2x128x128xi32, #tpu.memory_space<vmem>> -> memref<1x128x128xi32, #tpu.memory_space<vmem>>
    %dma_wait3A_67 = tpu.memref_squeeze %dma_wait3A_66 : memref<1x128x128xi32, #tpu.memory_space<vmem>> -> memref<128x128xi32, #tpu.memory_space<vmem>>
    %dma_wait3A_68 = arith.constant 0 : i32
    %dma_wait3A_69 = arith.constant 0 : i32
    %dma_wait3A_70 = tpu.memref_slice %arg2[%dma_wait3A_68, %dma_wait3A_69] : memref<65536x128xi32, #tpu.memory_space<hbm>> -> memref<128x128xi32, #tpu.memory_space<hbm>>
    tpu.wait_dma2 semaphore(%arg7 : memref<!tpu.dma_semaphore, #tpu.memory_space<semaphore_mem>>) src(%dma_wait3A_70 : memref<128x128xi32, #tpu.memory_space<hbm>>) dst(%dma_wait3A_67 : memref<128x128xi32, #tpu.memory_space<vmem>>)
    %parallel_loop3A_71 = arith.constant 0 : i32
    %parallel_loop3A_72 = arith.constant 128 : i32
    %parallel_loop3A_73 = arith.constant 1 : i32
    scf.for %parallel_loop3A_74 = %parallel_loop3A_71 to %parallel_loop3A_72 step %parallel_loop3A_73  : i32 {
      %parallel_loop3A_75 = arith.constant 1 : i32
      %parallel_loop3A_76 = arith.index_cast %parallel_loop3A_75 : i32 to index
      %parallel_loop3A_77 = arith.index_cast %parallel_loop3A_74 : i32 to index
      %parallel_loop3A_78 = arith.constant 0 : index
      %parallel_loop3A_79 = tpu.vector_load %arg4[%parallel_loop3A_76, %parallel_loop3A_77, %parallel_loop3A_78] {strides = array<i32>} : memref<2x128x128xi32, #tpu.memory_space<vmem>>, vector<16xi32>,
      %parallel_loop3A_80 = arith.constant true
      %parallel_loop3A_81 = vector.broadcast %parallel_loop3A_80 : i1 to vector<16xi1>
      %parallel_loop3A_82, %parallel_loop3A_83 = tpu.scan_count mask(%parallel_loop3A_81 : vector<16xi1>) value(%parallel_loop3A_79 : vector<16xi32>) : vector<16xi1>, vector<16xi32>
      tpu.vector_store_idx %arg5[%parallel_loop3A_79], %parallel_loop3A_83 masked %parallel_loop3A_82 {add = true} : memref<65536xi32, #tpu.memory_space<vmem>>[vector<16xi32>], vector<16xi32>, vector<16xi1>
      %parallel_loop3A_84 = arith.constant 1 : i32
      %parallel_loop3A_85 = arith.index_cast %parallel_loop3A_84 : i32 to index
      %parallel_loop3A_86 = arith.index_cast %parallel_loop3A_74 : i32 to index
      %parallel_loop3A_87 = arith.constant 16 : index
      %parallel_loop3A_88 = tpu.vector_load %arg4[%parallel_loop3A_85, %parallel_loop3A_86, %parallel_loop3A_87] {strides = array<i32>} : memref<2x128x128xi32, #tpu.memory_space<vmem>>, vector<16xi32>,
      %parallel_loop3A_89 = arith.constant true
      %parallel_loop3A_90 = vector.broadcast %parallel_loop3A_89 : i1 to vector<16xi1>
      %parallel_loop3A_91, %parallel_loop3A_92 = tpu.scan_count mask(%parallel_loop3A_90 : vector<16xi1>) value(%parallel_loop3A_88 : vector<16xi32>) : vector<16xi1>, vector<16xi32>
      tpu.vector_store_idx %arg5[%parallel_loop3A_88], %parallel_loop3A_92 masked %parallel_loop3A_91 {add = true} : memref<65536xi32, #tpu.memory_space<vmem>>[vector<16xi32>], vector<16xi32>, vector<16xi1>
      %parallel_loop3A_93 = arith.constant 1 : i32
      %parallel_loop3A_94 = arith.index_cast %parallel_loop3A_93 : i32 to index
      %parallel_loop3A_95 = arith.index_cast %parallel_loop3A_74 : i32 to index
      %parallel_loop3A_96 = arith.constant 32 : index
      %parallel_loop3A_97 = tpu.vector_load %arg4[%parallel_loop3A_94, %parallel_loop3A_95, %parallel_loop3A_96] {strides = array<i32>} : memref<2x128x128xi32, #tpu.memory_space<vmem>>, vector<16xi32>,
      %parallel_loop3A_98 = arith.constant true
      %parallel_loop3A_99 = vector.broadcast %parallel_loop3A_98 : i1 to vector<16xi1>
      %parallel_loop3A_100, %parallel_loop3A_101 = tpu.scan_count mask(%parallel_loop3A_99 : vector<16xi1>) value(%parallel_loop3A_97 : vector<16xi32>) : vector<16xi1>, vector<16xi32>
      tpu.vector_store_idx %arg5[%parallel_loop3A_97], %parallel_loop3A_101 masked %parallel_loop3A_100 {add = true} : memref<65536xi32, #tpu.memory_space<vmem>>[vector<16xi32>], vector<16xi32>, vector<16xi1>
      %parallel_loop3A_102 = arith.constant 1 : i32
      %parallel_loop3A_103 = arith.index_cast %parallel_loop3A_102 : i32 to index
      %parallel_loop3A_104 = arith.index_cast %parallel_loop3A_74 : i32 to index
      %parallel_loop3A_105 = arith.constant 48 : index
      %parallel_loop3A_106 = tpu.vector_load %arg4[%parallel_loop3A_103, %parallel_loop3A_104, %parallel_loop3A_105] {strides = array<i32>} : memref<2x128x128xi32, #tpu.memory_space<vmem>>, vector<16xi32>,
      %parallel_loop3A_107 = arith.constant true
      %parallel_loop3A_108 = vector.broadcast %parallel_loop3A_107 : i1 to vector<16xi1>
      %parallel_loop3A_109, %parallel_loop3A_110 = tpu.scan_count mask(%parallel_loop3A_108 : vector<16xi1>) value(%parallel_loop3A_106 : vector<16xi32>) : vector<16xi1>, vector<16xi32>
      tpu.vector_store_idx %arg5[%parallel_loop3A_106], %parallel_loop3A_110 masked %parallel_loop3A_109 {add = true} : memref<65536xi32, #tpu.memory_space<vmem>>[vector<16xi32>], vector<16xi32>, vector<16xi1>
      %parallel_loop3A_111 = arith.constant 1 : i32
      %parallel_loop3A_112 = arith.index_cast %parallel_loop3A_111 : i32 to index
      %parallel_loop3A_113 = arith.index_cast %parallel_loop3A_74 : i32 to index
      %parallel_loop3A_114 = arith.constant 64 : index
      %parallel_loop3A_115 = tpu.vector_load %arg4[%parallel_loop3A_112, %parallel_loop3A_113, %parallel_loop3A_114] {strides = array<i32>} : memref<2x128x128xi32, #tpu.memory_space<vmem>>, vector<16xi32>,
      %parallel_loop3A_116 = arith.constant true
      %parallel_loop3A_117 = vector.broadcast %parallel_loop3A_116 : i1 to vector<16xi1>
      %parallel_loop3A_118, %parallel_loop3A_119 = tpu.scan_count mask(%parallel_loop3A_117 : vector<16xi1>) value(%parallel_loop3A_115 : vector<16xi32>) : vector<16xi1>, vector<16xi32>
      tpu.vector_store_idx %arg5[%parallel_loop3A_115], %parallel_loop3A_119 masked %parallel_loop3A_118 {add = true} : memref<65536xi32, #tpu.memory_space<vmem>>[vector<16xi32>], vector<16xi32>, vector<16xi1>
      %parallel_loop3A_120 = arith.constant 1 : i32
      %parallel_loop3A_121 = arith.index_cast %parallel_loop3A_120 : i32 to index
      %parallel_loop3A_122 = arith.index_cast %parallel_loop3A_74 : i32 to index
      %parallel_loop3A_123 = arith.constant 80 : index
      %parallel_loop3A_124 = tpu.vector_load %arg4[%parallel_loop3A_121, %parallel_loop3A_122, %parallel_loop3A_123] {strides = array<i32>} : memref<2x128x128xi32, #tpu.memory_space<vmem>>, vector<16xi32>,
      %parallel_loop3A_125 = arith.constant true
      %parallel_loop3A_126 = vector.broadcast %parallel_loop3A_125 : i1 to vector<16xi1>
      %parallel_loop3A_127, %parallel_loop3A_128 = tpu.scan_count mask(%parallel_loop3A_126 : vector<16xi1>) value(%parallel_loop3A_124 : vector<16xi32>) : vector<16xi1>, vector<16xi32>
      tpu.vector_store_idx %arg5[%parallel_loop3A_124], %parallel_loop3A_128 masked %parallel_loop3A_127 {add = true} : memref<65536xi32, #tpu.memory_space<vmem>>[vector<16xi32>], vector<16xi32>, vector<16xi1>
      %parallel_loop3A_129 = arith.constant 1 : i32
      %parallel_loop3A_130 = arith.index_cast %parallel_loop3A_129 : i32 to index
      %parallel_loop3A_131 = arith.index_cast %parallel_loop3A_74 : i32 to index
      %parallel_loop3A_132 = arith.constant 96 : index
      %parallel_loop3A_133 = tpu.vector_load %arg4[%parallel_loop3A_130, %parallel_loop3A_131, %parallel_loop3A_132] {strides = array<i32>} : memref<2x128x128xi32, #tpu.memory_space<vmem>>, vector<16xi32>,
      %parallel_loop3A_134 = arith.constant true
      %parallel_loop3A_135 = vector.broadcast %parallel_loop3A_134 : i1 to vector<16xi1>
      %parallel_loop3A_136, %parallel_loop3A_137 = tpu.scan_count mask(%parallel_loop3A_135 : vector<16xi1>) value(%parallel_loop3A_133 : vector<16xi32>) : vector<16xi1>, vector<16xi32>
      tpu.vector_store_idx %arg5[%parallel_loop3A_133], %parallel_loop3A_137 masked %parallel_loop3A_136 {add = true} : memref<65536xi32, #tpu.memory_space<vmem>>[vector<16xi32>], vector<16xi32>, vector<16xi1>
      %parallel_loop3A_138 = arith.constant 1 : i32
      %parallel_loop3A_139 = arith.index_cast %parallel_loop3A_138 : i32 to index
      %parallel_loop3A_140 = arith.index_cast %parallel_loop3A_74 : i32 to index
      %parallel_loop3A_141 = arith.constant 112 : index
      %parallel_loop3A_142 = tpu.vector_load %arg4[%parallel_loop3A_139, %parallel_loop3A_140, %parallel_loop3A_141] {strides = array<i32>} : memref<2x128x128xi32, #tpu.memory_space<vmem>>, vector<16xi32>,
      %parallel_loop3A_143 = arith.constant true
      %parallel_loop3A_144 = vector.broadcast %parallel_loop3A_143 : i1 to vector<16xi1>
      %parallel_loop3A_145, %parallel_loop3A_146 = tpu.scan_count mask(%parallel_loop3A_144 : vector<16xi1>) value(%parallel_loop3A_142 : vector<16xi32>) : vector<16xi1>, vector<16xi32>
      tpu.vector_store_idx %arg5[%parallel_loop3A_142], %parallel_loop3A_146 masked %parallel_loop3A_145 {add = true} : memref<65536xi32, #tpu.memory_space<vmem>>[vector<16xi32>], vector<16xi32>, vector<16xi1>
    } {sc.loop_unroll_factor = 1 : i64, sc.parallel_access}
    "tpu.region"() ({
      %run_scoped3A = tpu.sem_alloc : memref<!tpu.dma_semaphore, #tpu.memory_space<semaphore_mem>>
      %dma_start3A_74 = arith.constant 0 : i32
      %dma_start3A_75 = tpu.memref_slice %arg3[%add3A, %dma_start3A_74] : memref<32x65536xi32, #tpu.memory_space<hbm>> -> memref<1x65536xi32, #tpu.memory_space<hbm>>
      %dma_start3A_76 = tpu.memref_squeeze %dma_start3A_75 : memref<1x65536xi32, #tpu.memory_space<hbm>> -> memref<65536xi32, #tpu.memory_space<hbm>>
      %dma_start3A_77 = arith.constant 0 : i32
      %dma_start3A_78 = tpu.memref_slice %arg3[%add3A, %dma_start3A_77] : memref<32x65536xi32, #tpu.memory_space<hbm>> -> memref<1x65536xi32, #tpu.memory_space<hbm>>
      %dma_start3A_79 = tpu.memref_squeeze %dma_start3A_78 : memref<1x65536xi32, #tpu.memory_space<hbm>> -> memref<65536xi32, #tpu.memory_space<hbm>>
      tpu.enqueue_dma source(%arg5 : memref<65536xi32, #tpu.memory_space<vmem>>) target(%dma_start3A_79 : memref<65536xi32, #tpu.memory_space<hbm>>) target_semaphore(%run_scoped3A : memref<!tpu.dma_semaphore, #tpu.memory_space<semaphore_mem>>)
      %dma_wait3A_80 = arith.constant 0 : i32
      %dma_wait3A_81 = tpu.memref_slice %arg3[%add3A, %dma_wait3A_80] : memref<32x65536xi32, #tpu.memory_space<hbm>> -> memref<1x65536xi32, #tpu.memory_space<hbm>>
      %dma_wait3A_82 = tpu.memref_squeeze %dma_wait3A_81 : memref<1x65536xi32, #tpu.memory_space<hbm>> -> memref<65536xi32, #tpu.memory_space<hbm>>
      %dma_wait3A_83 = arith.constant 0 : i32
      %dma_wait3A_84 = tpu.memref_slice %arg3[%add3A, %dma_wait3A_83] : memref<32x65536xi32, #tpu.memory_space<hbm>> -> memref<1x65536xi32, #tpu.memory_space<hbm>>
      %dma_wait3A_85 = tpu.memref_squeeze %dma_wait3A_84 : memref<1x65536xi32, #tpu.memory_space<hbm>> -> memref<65536xi32, #tpu.memory_space<hbm>>
      tpu.wait_dma2 semaphore(%run_scoped3A : memref<!tpu.dma_semaphore, #tpu.memory_space<semaphore_mem>>) src(%arg5 : memref<65536xi32, #tpu.memory_space<vmem>>) dst(%dma_wait3A_85 : memref<65536xi32, #tpu.memory_space<hbm>>)
      tpu.yield
    }) : () -> ()
    return
  }
}

module attributes {stable_mosaic.version = 14 : i64} {
  func.func @_combine_body(%arg0: memref<32x65536xi32, #tpu.memory_space<vmem>>, %arg1: memref<1x65536xi32, #tpu.memory_space<vmem>>, %arg2: memref<1x1xi32, #tpu.memory_space<vmem>>, %arg3: memref<1x1xi32, #tpu.memory_space<vmem>>) attributes {dimension_semantics = [], scalar_prefetch = 0 : i64, scratch_operands = 0 : i64, tpu.core_type = #tpu.core_type<tc>} {
    %get3A = arith.constant 0 : index
    %get3A_0 = arith.constant 0 : index
    %get3A_1 = vector.load %arg0[%get3A, %get3A_0] : memref<32x65536xi32, #tpu.memory_space<vmem>>, vector<32x65536xi32>
    %reduce_sum3A = arith.constant dense<0> : vector<65536xi32>
    %reduce_sum3A_2 = vector.multi_reduction <add>, %get3A_1, %reduce_sum3A [0] : vector<32x65536xi32> to vector<65536xi32>
    %broadcast_in_dim3A = vector.shape_cast %reduce_sum3A_2 : vector<65536xi32> to vector<1x65536xi32>
    %swap3A = arith.constant 0 : index
    %swap3A_3 = arith.constant 0 : index
    %swap3A_4 = vector.load %arg1[%swap3A, %swap3A_3] : memref<1x65536xi32, #tpu.memory_space<vmem>>, vector<1x65536xi32>
    tpu.vector_store %arg1[%swap3A, %swap3A_3], %broadcast_in_dim3A {strides = array<i32>} : memref<1x65536xi32, #tpu.memory_space<vmem>>, vector<1x65536xi32>,
    %iota3A = tpu.iota {dimensions = array<i32: 1>} : vector<1x65536xi32>
    %mul3A = arith.muli %broadcast_in_dim3A, %iota3A : vector<1x65536xi32>
    %reduce_sum3A_5 = vector.shape_cast %mul3A : vector<1x65536xi32> to vector<1x1x65536xi32>
    %reduce_sum3A_6 = arith.constant dense<0> : vector<1xi32>
    %reduce_sum3A_7 = vector.multi_reduction <add>, %reduce_sum3A_5, %reduce_sum3A_6 [1, 2] : vector<1x1x65536xi32> to vector<1xi32>
    %reduce_sum3A_8 = vector.shape_cast %reduce_sum3A_7 : vector<1xi32> to vector<1x1x1xi32>
    %reduce_sum3A_9 = vector.extract %reduce_sum3A_8[0, 0, 0] : i32 from vector<1x1x1xi32>
    %reshape3A = vector.broadcast %reduce_sum3A_9 : i32 to vector<1x1xi32>
    %swap3A_10 = arith.constant 0 : index
    %swap3A_11 = arith.constant 0 : index
    %swap3A_12 = vector.load %arg2[%swap3A_10, %swap3A_11] : memref<1x1xi32, #tpu.memory_space<vmem>>, vector<1x1xi32>
    tpu.vector_store %arg2[%swap3A_10, %swap3A_11], %reshape3A {strides = array<i32>} : memref<1x1xi32, #tpu.memory_space<vmem>>, vector<1x1xi32>,
    %mul3A_13 = arith.muli %iota3A, %iota3A : vector<1x65536xi32>
    %mul3A_14 = arith.muli %broadcast_in_dim3A, %mul3A_13 : vector<1x65536xi32>
    %reduce_sum3A_15 = vector.shape_cast %mul3A_14 : vector<1x65536xi32> to vector<1x1x65536xi32>
    %reduce_sum3A_16 = arith.constant dense<0> : vector<1xi32>
    %reduce_sum3A_17 = vector.multi_reduction <add>, %reduce_sum3A_15, %reduce_sum3A_16 [1, 2] : vector<1x1x65536xi32> to vector<1xi32>
    %reduce_sum3A_18 = vector.shape_cast %reduce_sum3A_17 : vector<1xi32> to vector<1x1x1xi32>
    %reduce_sum3A_19 = vector.extract %reduce_sum3A_18[0, 0, 0] : i32 from vector<1x1x1xi32>
    %reshape3A_20 = vector.broadcast %reduce_sum3A_19 : i32 to vector<1x1xi32>
    %swap3A_21 = arith.constant 0 : index
    %swap3A_22 = arith.constant 0 : index
    %swap3A_23 = vector.load %arg3[%swap3A_21, %swap3A_22] : memref<1x1xi32, #tpu.memory_space<vmem>>, vector<1x1xi32>
    tpu.vector_store %arg3[%swap3A_21, %swap3A_22], %reshape3A_20 {strides = array<i32>} : memref<1x1xi32, #tpu.memory_space<vmem>>, vector<1x1xi32>,
    return
  }
}

</mosaic_0001>

<sc_bundles>
// kernel: kernel.4.cloned.1.call-start
scs
__scs_entry_jumppad:
0x0: {  	(pc) =	sbr.rel $0x88, $3  }
0x1: {  	(tag) =	ssettag $0x0;
	lr =	simm.s32 $0x1  }
0x2: {  	[smem:$0x3FA0] =	sst lr;
	_ =	strace $0xD0000000  }
0x3: {  	_ = 	snop  }
0x4: {  	_ = 	snop  }
0x5: {  	_ = 	snop  }
0x6: {  	_ = 	snop  }
0x7: {  	_ = 	snop  }
__scs_overlays_trampoline_lowered:
0x8: {  	[smem:$0x3FAF] =	sst s0  }
0x9: {  	[smem:$0x3FB0] =	sst s1  }
0xa: {  	[smem:$0x3FB1] =	sst s2  }
0xb: {  	[smem:$0x3FB2] =	sst s3  }
0xc: {  	[smem:$0x3FB3] =	sst s4  }
0xd: {  	[smem:$0x3FB4] =	sst s5  }
0xe: {  	[smem:$0x3FB5] =	sst s6  }
0xf: {  	[smem:$0x3FB6] =	sst s7  }
0x10: {  	[smem:$0x3FB7] =	sst s8  }
0x11: {  	[smem:$0x3FB8] =	sst s9;
	s0 =	simm.s32 @!p0 $0x0  }
0x12: {  	s1 =	sld [smem:$0x3F9E];
	s0 =	simm.s32 @p0 $0x1  }
0x13: {  	[smem:$0x3FB9] =	sst s0;
	s0 =	simm.s32 @!p1 $0x0  }
0x14: {  	s2 =	sld [smem:$0x3F9D];
	s0 =	simm.s32 @p1 $0x1  }
0x15: {  	[smem:$0x3FBA] =	sst s0;
	s0 =	simm.s32 @!p2 $0x0  }
0x16: {  	s3 =	sld [smem:$0x3FDB];
	s0 =	simm.s32 @p2 $0x1  }
0x17: {  	s4 =	simm.s32 $0x1BF5;
	[smem:$0x3FBC] =	sst s0  }
0x18: {  	s0 =	sld [smem:$0x3F9F];
	_ =	swait.ge [sflag:s4], $0x0  }
0x19: {  	s7 =	sld [smem:$0x3FA0]  }
0x1a: {  	s8 =	sadd.s32 $0xFFFFE003, lr  }
0x1b: {  	s9 =	sadd.s32 $0xFFFFFEF7, lr;
	s5 =	simm.s32 $0xFFFFFFFF;
	p2 =	slt.u32 s8, $0xFFFFF086  }
0x1c: {  	p1 =	slt.u32 s9, $0xF7A;
	s5 =	simm.s32 @!p2 $0x0  }
0x1d: {  	s5 =	simm.s32 @p1 $0x1;
	p0 =	seq.s32 s7, s2  }
0x1e: {  	s7 =	smul.u32 @!p0 $0xF7A, s2;
	p2 =	seq.s32 @!p0 s5, $0x0  }
0x1f: {  	s9 =	smul.u32 $0xF7A, s1;
	s8 =	simm.s32 @!p0 $0x1BF5;
	p2 =	por !p2, p0  }
0x20: {  	[sflag:s8] =	ssyncset.s32 @!p0 $0xFFFFF086;
	s6 =	sadd.s32 @!p0 s3, s7;
	s7 =	simm.s32 @!p0 $0x108  }
0x21: {  	s3 =	sadd.s32 s3, s9;
	s6 =	sadd.s32 @!p0 $0x88, s6;
	s7 =	simm.s32 @p2 $0x1082  }
0x22: {  	[simem:s7], [sflag:s8] =	dma.local @!p0 [hbm:s6], $0xF7A  }
0x23: {  	s9 =	sor.u32 $0xD0000000, s2;
	s6 =	simm.s32 $0x108;
	_ =	swait.ge @!p0 [sflag:s8], $0x0  }
0x24: {  	s3 =	sadd.s32 $0x88, s3;
	s6 =	simm.s32 @!p1 $0x1082;
	[sflag:s4] =	ssyncset.s32 $0xFFFFF086  }
0x25: {  	[simem:s6], [sflag:s4] =	dma.local [hbm:s3], $0xF7A  }
0x26: {  	[smem:$0x3FA0] =	sst s1;
	(tag) =	ssettag s2;
	_ =	strace s9  }
0x27: {  	s1 =	sld [smem:$0x3FB0]  }
0x28: {  	s2 =	sld [smem:$0x3FB1]  }
0x29: {  	s4 =	sld [smem:$0x3FB3]  }
0x2a: {  	p0 =	seq.s32 s5, $0x0;
	s5 =	sld [smem:$0x3FB4]  }
0x2b: {  	s6 =	sld [smem:$0x3FB5]  }
0x2c: {  	s7 =	sld [smem:$0x3FB6]  }
0x2d: {  	s3 =	simm.s32 $0x108;
	s8 =	sld [smem:$0x3FB7]  }
0x2e: {  	s3 =	simm.s32 @!p0 $0x1082;
	s9 =	sld [smem:$0x3FB8]  }
0x2f: {  	lr =	sadd.s32 s0, s3;
	s0 =	sld [smem:$0x3FAF]  }
0x30: {  	s3 =	sld [smem:$0x3FB2]  }
0x31: {  	[smem:$0x3FBB] =	sst s10  }
0x32: {  	s10 =	sld [smem:$0x3FB9];
	_ =	sdelay $0x3  }
0x33: {  	p0 =	seq.s32 s10, $0x1;
	s10 =	sld [smem:$0x3FBB];
	_ =	sdelay $0x3  }
0x34: {  	[smem:$0x3FBB] =	sst s10  }
0x35: {  	s10 =	sld [smem:$0x3FBA];
	_ =	sdelay $0x3  }
0x36: {  	p1 =	seq.s32 s10, $0x1;
	s10 =	sld [smem:$0x3FBB];
	_ =	sdelay $0x3  }
0x37: {  	[smem:$0x3FBB] =	sst s10  }
0x38: {  	s10 =	sld [smem:$0x3FBC]  }
0x39: {  	_ = 	snop;
	(pc) =	sbr.ind lr, $3  }
0x3a: {  	_ = 	snop  }
0x3b: {  	_ = 	snop  }
0x3c: {  	p2 =	seq.s32 s10, $0x1;
	s10 =	sld [smem:$0x3FBB]  }
0x3d: {  	_ =	shalt  }
0x3e: {  	_ =	shalt  }
0x3f: {  	_ =	shalt  }
0x40: {  	_ =	shalt  }
0x41: {  	_ =	shalt  }
0x42: {  	_ =	shalt  }
0x43: {  	_ =	shalt  }
0x44: {  	_ =	shalt  }
0x45: {  	_ =	shalt  }
0x46: {  	_ =	shalt  }
0x47: {  	_ =	shalt  }
0x48: {  	_ =	shalt  }
0x49: {  	_ =	shalt  }
0x4a: {  	_ =	shalt  }
0x4b: {  	_ =	shalt  }
0x4c: {  	_ =	shalt  }
0x4d: {  	_ =	shalt  }
0x4e: {  	_ =	shalt  }
0x4f: {  	_ =	shalt  }
0x50: {  	_ =	shalt  }
0x51: {  	_ =	shalt  }
0x52: {  	_ =	shalt  }
0x53: {  	_ =	shalt  }
0x54: {  	_ =	shalt  }
0x55: {  	_ =	shalt  }
0x56: {  	_ =	shalt  }
0x57: {  	_ =	shalt  }
0x58: {  	_ =	shalt  }
0x59: {  	_ =	shalt  }
0x5a: {  	_ =	shalt  }
0x5b: {  	_ =	shalt  }
0x5c: {  	_ =	shalt  }
0x5d: {  	_ =	shalt  }
0x5e: {  	_ =	shalt  }
0x5f: {  	_ =	shalt  }
0x60: {  	_ =	shalt  }
0x61: {  	_ =	shalt  }
0x62: {  	_ =	shalt  }
0x63: {  	_ =	shalt  }
0x64: {  	_ =	shalt  }
0x65: {  	_ =	shalt  }
0x66: {  	_ =	shalt  }
0x67: {  	_ =	shalt  }
0x68: {  	_ =	shalt  }
0x69: {  	_ =	shalt  }
0x6a: {  	_ =	shalt  }
0x6b: {  	_ =	shalt  }
0x6c: {  	_ =	shalt  }
0x6d: {  	_ =	shalt  }
0x6e: {  	_ =	shalt  }
0x6f: {  	_ =	shalt  }
0x70: {  	_ =	shalt  }
0x71: {  	_ =	shalt  }
0x72: {  	_ =	shalt  }
0x73: {  	_ =	shalt  }
0x74: {  	_ =	shalt  }
0x75: {  	_ =	shalt  }
0x76: {  	_ =	shalt  }
0x77: {  	_ =	shalt  }
0x78: {  	_ =	shalt  }
0x79: {  	_ =	shalt  }
0x7a: {  	_ =	shalt  }
0x7b: {  	_ =	shalt  }
0x7c: {  	_ =	shalt  }
0x7d: {  	_ =	shalt  }
0x7e: {  	_ =	shalt  }
0x7f: {  	_ =	shalt  }
0x80: {  	_ =	shalt  }
0x81: {  	_ =	shalt  }
0x82: {  	_ =	shalt  }
0x83: {  	_ =	shalt  }
0x84: {  	_ =	shalt  }
0x85: {  	_ =	shalt  }
0x86: {  	_ =	shalt  }
0x87: {  	_ =	shalt  }
.Lfunc_end0:
.L_simem_size_0:
called_computation_lowered:
.L_overlay_start_0:
0x88: {  	s2 =	sld [smem:$0x3FD9]  }
0x89: {  	s3 =	sld [smem:$0x3FFE];
	_ =	sdelay $0x1  }
0x8a: {  	s1 =	srdreg.scid  }
0x8b: {  	s0 =	sand.u32 $0x1, s1  }
0x8c: {  	s17 =	sshll.u32 s0, $0xA;
	s2 =	sadd.s32 s3, s2  }
0x8d: {  	s2 =	sadd.s32 s2, s17  }
0x8e: {  	[smem:$0x3FC7] =	sst s2  }
0x8f: {  	_ = 	snop  }
0x90: {  	s2 =	sld [smem:$0x3FC9];
	(tm) =	ssettm $0x1  }
0x91: {  	s18 =	sld [smem:$0x3FFB];
	_ =	sdelay $0x3  }
0x92: {  	_ =	strace s18  }
0x93: {  	s3 =	sld [smem:$0x3FFC];
	_ =	sdelay $0x3  }
0x94: {  	_ =	strace s3  }
0x95: {  	s3 =	sld [smem:$0x3FFD];
	_ =	sdelay $0x3  }
0x96: {  	_ =	strace s3  }
0x97: {  	_ =	strace $0x8FFFFFFF  }
0x98: {  	s19 =	sld [smem:$0x3FDB];
	_ =	sdelay $0x1  }
0x99: {  	s4 =	simm.s32 $_scs_section_size  }
0x9a: {  	s5 =	simm.s32 $_size__tile_overlayer_lowered;
	s6 =	simm.s32 $_tile_overlayer_lowered  }
0x9b: {  	s22 =	simm.s32 $0x1BFF;
	s21 =	sshll.u32 s6, $0x1;
	s3 =	sadd.s32 s4, s19  }
0x9c: {  	s7 =	simm.s32 $0x0;
	s20 =	sshll.u32 s5, $0x1;
	s5 =	sadd.s32 s21, s3  }
0x9d: {  	[timem:s7], [sflag:s22] =	dma.local [hbm:s5], s20  }
0x9e: {  	_ =	swait.ge [sflag:s22], s20  }
0x9f: {  	s4 =	ssub.s32 $0x0, s20;
	[sflag:s22] =	ssyncset.done $0x0  }
0xa0: {  	[sflag:s22] =	ssyncadd.s32 s4;
	_ =	sdelay $0x1  }
0xa1: {  	s23 =	simm.s32 $0x1B8B  }
0xa2: {  	_ =	swait.ge [sflag:s23], $0x1  }
0xa3: {  	[sflag:s23] =	ssyncset.done $0x0  }
0xa4: {  	s25 =	simm.s32 $0x1B8E;
	s24 =	sld [smem:$0x3FFE];
	[sflag:s23] =	ssyncadd.s32 $0xFFFFFFFF  }
0xa5: {  	s26 =	simm.s32 $execute0_lowered;
	[smem:$0x3FD2] =	sst s25  }
0xa6: {  	s5 =	sshll.u32 s26, $0x1;
	_ =	strace $0x80000046;
	[dreg:$0x1] =	wrdreg $0xFFFFFFFF  }
0xa7: {  	s28 =	simm.s32 $_size_execute0_lowered;
	s3 =	sadd.s32 s3, s5;
	[dreg:$0x0] =	wrdreg $0x0  }
0xa8: {  	s5 =	sshll.u32 s28, $0x1;
	[dreg:$0x2] =	wrdreg s3  }
0xa9: {  	[dreg:$0x3] =	wrdreg s5  }
0xaa: {  	[dreg:$0x4] =	wrdreg $0xC0  }
0xab: {  	_ =	task [dreg:s7], $0x5FFFF  }
0xac: {  	[dreg:$0x1] =	wrdreg $0xFFFFFFFF  }
0xad: {  	[dreg:$0x0] =	wrdreg $0x60  }
0xae: {  	[dreg:$0x2] =	wrdreg s2  }
0xaf: {  	[dreg:$0x3] =	wrdreg s24  }
0xb0: {  	[dreg:$0x4] =	wrdreg $0x9  }
0xb1: {  	_ =	task.clear_ibuf [dreg:s7], $0x5FFFF;
	_ =	strace $0x90000046  }
0xb2: {  	s29 =	simm.s32 $0x9;
	_ =	strace $0x80000048  }
0xb3: {  	_ =	swait.ge [sflag:s29], $0x1  }
0xb4: {  	[sflag:s29] =	ssyncadd.s32 $0xFFFFFFFF  }
0xb5: {  	_ =	strace $0x90000048  }
0xb6: {  	_ =	sfence  }
0xb7: {  	s30 =	sld [smem:$0x0];
	_ =	sdelay $0x2  }
0xb8: {  	s31 =	sshll.u32 s1, $0xD;
	s1 =	sshrl.u32 s1, $0x2  }
0xb9: {  	s3 =	sand.u32 $0x4000, s31;
	s1 =	sadd.s32 s1, s30  }
0xba: {  	s0 =	sor.u32 s3, s0;
	s1 =	sshll.u32 s1, $0x11  }
0xbb: {  	s0 =	sor.u32 s1, s0  }
0xbc: {  	s0 =	sadd.s32 $0x8F2B, s0  }
0xbd: {  	[sflag:s0] =	ssyncadd.remote.s32 $0x1  }
0xbe: {  	_ =	sfence.sel $0xFFFF  }
0xbf: {  	[dreg:$0x0] =	wrdreg $0xFFFFFFFF;
	(pc) =	sbr.abs _section_cstart, $3  }
0xc0: {  	[dreg:$0x1] =	wrdreg $0xFFFFFFFF  }
0xc1: {  	_ =	task.clear_ibuf [dreg:s7], $0x2FFFF;
	_ =	strace $0x9FFFFFFF  }
0xc2: {  	(tm) =	ssettm $0x7FFFFFFF  }
0xc3: {  	_ =	shalt  }
tec
execute0_lowered:
.L_overlay_start_1:
0x0: {  	(tag) =	ssettag $0x1  }
0x1: {  	s1 =	rddreg [dreg:$0x0]  }
0x2: {  	s0 =	rddreg [dreg:$0x1]  }
0x3: {  	s3 =	simm.s32 $0x0;
	s5 =	stileid.u32;
	s4 =	srdreg.scid  }
0x4: {  	s10 =	simm.s32 $0x4000;
	s11 =	simm.s32 $0x1;
	s12 =	simm.s32 $0x8000  }
0x5: {  	s13 =	simm.s32 $0x2;
	s14 =	simm.s32 $0x80;
	s15 =	simm.s32 $0x400  }
0x6: {  	s16 =	simm.s32 $0x3;
	s17 =	simm.s32 $0x0;
	[smem:$0x7FF] =	sst s3  }
0x7: {  	s2 =	sshll.u32 s5, $0xE;
	s4 =	sand.u32 $0x1, s4;
	s5 =	sshll.u32 s5, $0x1  }
0x8: {  	_ =	strace $0x80000047;
	s2 =	sand.u32 $0x30000, s2;
	s28 =	ssub.s32 $0x2, s4  }
0x9: {  	s5 =	sor.u32 s4, s5;
	s0 =	sadd.s32 s2, s0;
	s29 =	sshrl.u32 s28, $0x1  }
0xa: {  	s6 =	sshll.u32 s5, $0xF;
	s7 =	sshll.u32 s5, $0x4;
	s31 =	sshll.u32 s5, $0xB  }
0xb: {  	s2 =	ssub.s32 s28, s29;
	s4 =	sadd.s32 s1, s6;
	s30 =	sand.u32 $0x70, s7  }
0xc: {  	s6 =	sor.u32 $0x100, s31;
	s7 =	sor.u32 $0x180, s31;
	s0 =	sadd.s32 s30, s0  }
0xd: {  	v0 =	vimm.s32 $0x0;
	s5 =	sadd.s32 $0x800, s4;
	s9 =	smax.u32 s2, $0x1;
	s8 =	sadd.s32 $0x800, s0  }
.LBB2_1:
0xe: {  	[tilespmem:s3], [sflag:$0x1] =	stream.linear.gather [hbm4b:s4+s3], $0x4000, $0x38;
	[tilespmem:$0x18000] =	vst v63  }
0xf: {  	s0 =	simm.s32 $0x8080  }
0x10: {  	[tilespmem:s10], [sflag:$0x2] =	stream.linear.gather [hbm4b:s5+s3], $0x4000, $0x38;
	[tilespmem:$0x18000] =	vst v63  }
0x11: {  	[tilespmem:s0+$0xFFFFFF80] =	vst v0  }
0x12: {  	[tilespmem:s0+$0x70] =	vst v0  }
0x13: {  	[tilespmem:s0+$0x60] =	vst v0  }
0x14: {  	[tilespmem:s0+$0x50] =	vst v0  }
0x15: {  	[tilespmem:s0+$0x40] =	vst v0  }
0x16: {  	[tilespmem:s0+$0x30] =	vst v0  }
0x17: {  	[tilespmem:s0+$0x20] =	vst v0  }
0x18: {  	[tilespmem:s0+$0x10] =	vst v0  }
0x19: {  	[tilespmem:s0+$0x0] =	vst v0  }
0x1a: {  	[tilespmem:s0+$0xFFFFFFF0] =	vst v0  }
0x1b: {  	[tilespmem:s0+$0xFFFFFFE0] =	vst v0  }
0x1c: {  	[tilespmem:s0+$0xFFFFFFD0] =	vst v0  }
0x1d: {  	[tilespmem:s0+$0xFFFFFFC0] =	vst v0  }
0x1e: {  	[tilespmem:s0+$0xFFFFFFB0] =	vst v0  }
0x1f: {  	s2 =	simm.s32 $0x0;
	[tilespmem:s0+$0xFFFFFFA0] =	vst v0  }
.LBB2_2:
0x20: {  	s2 =	sadd.s32 $0x100, s2;
	[tilespmem:s0+$0xFFFFFF90] =	vst v0;
	s0 =	sadd.s32 $0x100, s0  }
0x21: {  	[tilespmem:s0+$0xFFFFFF80] =	vst v0;
	p0 =	slt.u32 s2, $0xFF00  }
0x22: {  	[tilespmem:s0+$0x70] =	vst v0  }
0x23: {  	[tilespmem:s0+$0x60] =	vst v0  }
0x24: {  	[tilespmem:s0+$0x50] =	vst v0  }
0x25: {  	[tilespmem:s0+$0x40] =	vst v0  }
0x26: {  	[tilespmem:s0+$0x30] =	vst v0  }
0x27: {  	[tilespmem:s0+$0x20] =	vst v0  }
0x28: {  	[tilespmem:s0+$0x10] =	vst v0  }
0x29: {  	[tilespmem:s0+$0x0] =	vst v0  }
0x2a: {  	[tilespmem:s0+$0xFFFFFFF0] =	vst v0  }
.Ltmp0:
0x2b: {  	[tilespmem:s0+$0xFFFFFFE0] =	vst v0;
	(pc) =	sbr.rel @p0 .LBB2_2-.Ltmp0, $4  }
0x2c: {  	[tilespmem:s0+$0xFFFFFFD0] =	vst v0  }
0x2d: {  	[tilespmem:s0+$0xFFFFFFC0] =	vst v0  }
0x2e: {  	[tilespmem:s0+$0xFFFFFFB0] =	vst v0  }
0x2f: {  	[tilespmem:s0+$0xFFFFFFA0] =	vst v0  }
0x30: {  	[tilespmem:s0+$0xFFFFFF90] =	vst v0;
	s18 =	simm.s32 $0x0  }
.LBB2_4:
0x31: {  	_ =	swait.ge [sflag:s11], $0x4000  }
0x32: {  	[sflag:s11] =	ssyncset.done $0x0  }
0x33: {  	s0 =	simm.s32 $0x0;
	[sflag:s11] =	ssyncadd.s32 $0xFFFFC000  }
0x34: {  	v1 =	vld [tilespmem:s0+$0x0];
	_ =	sdelay $0x4  }
0x35: {  	(xrf1) =	vunique.msk.u32 $0xffff, v1;
	_ =	sdelay $0x9  }
0x36: {  	s30 =	simm.s32 $0x80  }
0x37: {  	v2 =	vld [tilespmem:s30+$0x0];
	_ =	sdelay $0x2  }
0x38: {  	_, v3, vm0 =	vpop (xrf1);
	_ =	sdelay $0x1  }
0x39: {  	(xrf1) =	vunique.msk.u32 $0xffff, v2;
	_ =	sdelay $0x3  }
0x3a: {  	[tilespmem:v1+s12+$0x0] =	vst.idx.add.s32.msk vm0, v3  }
0x3b: {  	v1 =	vld [tilespmem:s0+$0x10];
	_ =	sdelay $0x4  }
0x3c: {  	s29 =	simm.s32 $0x100;
	(xrf1) =	vunique.msk.u32 $0xffff, v1  }
0x3d: {  	v3 =	vld [tilespmem:s29+$0x0];
	_ =	sdelay $0x2  }
0x3e: {  	_, v4, vm0 =	vpop (xrf1);
	_ =	sdelay $0x1  }
0x3f: {  	(xrf1) =	vunique.msk.u32 $0xffff, v3;
	_ =	sdelay $0x3  }
0x40: {  	[tilespmem:v2+s12+$0x0] =	vst.idx.add.s32.msk vm0, v4  }
0x41: {  	v2 =	vld [tilespmem:s30+$0x10];
	_ =	sdelay $0x2  }
0x42: {  	_, v4, vm0 =	vpop (xrf1);
	_ =	sdelay $0x1  }
0x43: {  	s25 =	simm.s32 $0x180;
	(xrf1) =	vunique.msk.u32 $0xffff, v2  }
0x44: {  	v5 =	vld [tilespmem:s25+$0x0];
	_ =	sdelay $0x2  }
0x45: {  	[tilespmem:v1+s12+$0x0] =	vst.idx.add.s32.msk vm0, v4;
	_, v1, vm0 =	vpop (xrf1)  }
0x46: {  	v4 =	vld [tilespmem:s0+$0x20]  }
0x47: {  	(xrf1) =	vunique.msk.u32 $0xffff, v5;
	_ =	sdelay $0x3  }
0x48: {  	(xrf1) =	vunique.msk.u32 $0xffff, v4;
	[tilespmem:v3+s12+$0x0] =	vst.idx.add.s32.msk vm0, v1  }
0x49: {  	v1 =	vld [tilespmem:s29+$0x10];
	_ =	sdelay $0x2  }
0x4a: {  	_, v3, vm0 =	vpop (xrf1);
	_ =	sdelay $0x1  }
0x4b: {  	s24 =	simm.s32 $0x200;
	(xrf1) =	vunique.msk.u32 $0xffff, v1  }
0x4c: {  	v6 =	vld [tilespmem:s24+$0x0];
	_ =	sdelay $0x2  }
0x4d: {  	_, v7, vm1 =	vpop (xrf1);
	[tilespmem:v2+s12+$0x0] =	vst.idx.add.s32.msk vm0, v3  }
0x4e: {  	v2 =	vld [tilespmem:s30+$0x20]  }
0x4f: {  	(xrf1) =	vunique.msk.u32 $0xffff, v6;
	_ =	sdelay $0x1  }
0x50: {  	_, v3, vm0 =	vpop (xrf1);
	_ =	sdelay $0x1  }
0x51: {  	[tilespmem:v5+s12+$0x0] =	vst.idx.add.s32.msk vm1, v7;
	(xrf1) =	vunique.msk.u32 $0xffff, v2  }
0x52: {  	v5 =	vld [tilespmem:s25+$0x10];
	_ =	sdelay $0x2  }
0x53: {  	[tilespmem:v4+s12+$0x0] =	vst.idx.add.s32.msk vm0, v3;
	_, v3, vm0 =	vpop (xrf1)  }
0x54: {  	v4 =	vld [tilespmem:s0+$0x30]  }
0x55: {  	s21 =	simm.s32 $0x280;
	(xrf1) =	vunique.msk.u32 $0xffff, v5  }
0x56: {  	v7 =	vld [tilespmem:s21+$0x0];
	_ =	sdelay $0x2  }
0x57: {  	_, v8, vm1 =	vpop (xrf1);
	(xrf1) =	vunique.msk.u32 $0xffff, v4;
	[tilespmem:v1+s12+$0x0] =	vst.idx.add.s32.msk vm0, v3  }
0x58: {  	v1 =	vld [tilespmem:s29+$0x20]  }
0x59: {  	(xrf1) =	vunique.msk.u32 $0xffff, v7;
	_ =	sdelay $0x1  }
0x5a: {  	_, v3, vm0 =	vpop (xrf1);
	_ =	sdelay $0x1  }
0x5b: {  	[tilespmem:v6+s12+$0x0] =	vst.idx.add.s32.msk vm1, v8;
	(xrf1) =	vunique.msk.u32 $0xffff, v1  }
0x5c: {  	v6 =	vld [tilespmem:s24+$0x10];
	_ =	sdelay $0x2  }
0x5d: {  	_, v8, vm1 =	vpop (xrf1);
	[tilespmem:v2+s12+$0x0] =	vst.idx.add.s32.msk vm0, v3  }
0x5e: {  	v2 =	vld [tilespmem:s30+$0x30]  }
0x5f: {  	s19 =	simm.s32 $0x300;
	(xrf1) =	vunique.msk.u32 $0xffff, v6  }
0x60: {  	v3 =	vld [tilespmem:s19+$0x0]  }
0x61: {  	_, v9, vm0 =	vpop (xrf1);
	_ =	sdelay $0x1  }
0x62: {  	[tilespmem:v5+s12+$0x0] =	vst.idx.add.s32.msk vm1, v8;
	(xrf1) =	vunique.msk.u32 $0xffff, v2;
	_, v10, vm2 =	vpop (xrf1)  }
0x63: {  	v5 =	vld [tilespmem:s25+$0x20]  }
0x64: {  	(xrf1) =	vunique.msk.u32 $0xffff, v3;
	_ =	sdelay $0x1  }
0x65: {  	[tilespmem:v4+s12+$0x0] =	vst.idx.add.s32.msk vm0, v9;
	_, v4, vm0 =	vpop (xrf1)  }
0x66: {  	v8 =	vld [tilespmem:s0+$0x40]  }
0x67: {  	(xrf1) =	vunique.msk.u32 $0xffff, v5;
	[tilespmem:v7+s12+$0x0] =	vst.idx.add.s32.msk vm2, v10  }
0x68: {  	v7 =	vld [tilespmem:s21+$0x10];
	_ =	sdelay $0x2  }
0x69: {  	_, v9, vm1 =	vpop (xrf1);
	(xrf1) =	vunique.msk.u32 $0xffff, v8;
	[tilespmem:v1+s12+$0x0] =	vst.idx.add.s32.msk vm0, v4  }
0x6a: {  	v1 =	vld [tilespmem:s29+$0x30]  }
0x6b: {  	s22 =	simm.s32 $0x380;
	(xrf1) =	vunique.msk.u32 $0xffff, v7  }
0x6c: {  	v4 =	vld [tilespmem:s22+$0x0]  }
0x6d: {  	_, v10, vm0 =	vpop (xrf1);
	_ =	sdelay $0x1  }
0x6e: {  	[tilespmem:v6+s12+$0x0] =	vst.idx.add.s32.msk vm1, v9;
	_, v6, vm1 =	vpop (xrf1);
	(xrf1) =	vunique.msk.u32 $0xffff, v1  }
0x6f: {  	v9 =	vld [tilespmem:s24+$0x20]  }
0x70: {  	(xrf1) =	vunique.msk.u32 $0xffff, v4;
	_ =	sdelay $0x1  }
0x71: {  	_, v11, vm2 =	vpop (xrf1);
	[tilespmem:v2+s12+$0x0] =	vst.idx.add.s32.msk vm0, v10  }
0x72: {  	v2 =	vld [tilespmem:s30+$0x40]  }
0x73: {  	[tilespmem:v3+s12+$0x0] =	vst.idx.add.s32.msk vm1, v6;
	(xrf1) =	vunique.msk.u32 $0xffff, v9  }
0x74: {  	v3 =	vld [tilespmem:s19+$0x10]  }
0x75: {  	_, v6, vm0 =	vpop (xrf1);
	_ =	sdelay $0x1  }
0x76: {  	[tilespmem:v5+s12+$0x0] =	vst.idx.add.s32.msk vm2, v11;
	(xrf1) =	vunique.msk.u32 $0xffff, v2;
	_, v10, vm1 =	vpop (xrf1)  }
0x77: {  	v5 =	vld [tilespmem:s25+$0x30]  }
0x78: {  	s20 =	simm.s32 $0x400;
	(xrf1) =	vunique.msk.u32 $0xffff, v3  }
0x79: {  	v11 =	vld [tilespmem:s20+$0x0]  }
0x7a: {  	[tilespmem:v8+s12+$0x0] =	vst.idx.add.s32.msk vm0, v6;
	_, v6, vm0 =	vpop (xrf1)  }
0x7b: {  	v8 =	vld [tilespmem:s0+$0x50]  }
0x7c: {  	(xrf1) =	vunique.msk.u32 $0xffff, v5;
	[tilespmem:v7+s12+$0x0] =	vst.idx.add.s32.msk vm1, v10;
	_, v7, vm1 =	vpop (xrf1)  }
0x7d: {  	v10 =	vld [tilespmem:s21+$0x20]  }
0x7e: {  	(xrf1) =	vunique.msk.u32 $0xffff, v11;
	_ =	sdelay $0x1  }
0x7f: {  	_, v12, vm2 =	vpop (xrf1);
	(xrf1) =	vunique.msk.u32 $0xffff, v8;
	[tilespmem:v1+s12+$0x0] =	vst.idx.add.s32.msk vm0, v6  }
0x80: {  	v1 =	vld [tilespmem:s29+$0x40]  }
0x81: {  	(xrf1) =	vunique.msk.u32 $0xffff, v10;
	[tilespmem:v4+s12+$0x0] =	vst.idx.add.s32.msk vm1, v7  }
0x82: {  	v4 =	vld [tilespmem:s22+$0x10]  }
0x83: {  	_, v6, vm0 =	vpop (xrf1);
	_ =	sdelay $0x1  }
0x84: {  	[tilespmem:v9+s12+$0x0] =	vst.idx.add.s32.msk vm2, v12;
	_, v7, vm1 =	vpop (xrf1);
	(xrf1) =	vunique.msk.u32 $0xffff, v1  }
0x85: {  	v9 =	vld [tilespmem:s24+$0x30]  }
0x86: {  	s23 =	simm.s32 $0x480;
	(xrf1) =	vunique.msk.u32 $0xffff, v4  }
0x87: {  	v12 =	vld [tilespmem:s23+$0x0]  }
0x88: {  	_, v13, vm2 =	vpop (xrf1);
	[tilespmem:v2+s12+$0x0] =	vst.idx.add.s32.msk vm0, v6  }
0x89: {  	v2 =	vld [tilespmem:s30+$0x50]  }
0x8a: {  	(xrf1) =	vunique.msk.u32 $0xffff, v9;
	[tilespmem:v3+s12+$0x0] =	vst.idx.add.s32.msk vm1, v7;
	_, v6, vm0 =	vpop (xrf1)  }
0x8b: {  	v7 =	vld [tilespmem:s19+$0x20]  }
0x8c: {  	(xrf1) =	vunique.msk.u32 $0xffff, v12;
	_, v3, vm1 =	vpop (xrf1);
	_ =	sdelay $0x1  }
0x8d: {  	[tilespmem:v5+s12+$0x0] =	vst.idx.add.s32.msk vm2, v13;
	(xrf1) =	vunique.msk.u32 $0xffff, v2;
	_, v14, vm3 =	vpop (xrf1)  }
0x8e: {  	v5 =	vld [tilespmem:s25+$0x40]  }
0x8f: {  	[tilespmem:v11+s12+$0x0] =	vst.idx.add.s32.msk vm0, v6;
	(xrf1) =	vunique.msk.u32 $0xffff, v7  }
0x90: {  	v11 =	vld [tilespmem:s20+$0x10]  }
0x91: {  	[tilespmem:v8+s12+$0x0] =	vst.idx.add.s32.msk vm1, v3;
	_, v3, vm0 =	vpop (xrf1)  }
0x92: {  	v13 =	vld [tilespmem:s0+$0x60]  }
0x93: {  	(xrf1) =	vunique.msk.u32 $0xffff, v5;
	[tilespmem:v10+s12+$0x0] =	vst.idx.add.s32.msk vm3, v14;
	_, v6, vm1 =	vpop (xrf1)  }
0x94: {  	v10 =	vld [tilespmem:s21+$0x30]  }
0x95: {  	s26 =	simm.s32 $0x500;
	(xrf1) =	vunique.msk.u32 $0xffff, v11  }
0x96: {  	v14 =	vld [tilespmem:s26+$0x0]  }
0x97: {  	_, v8, vm2 =	vpop (xrf1);
	(xrf1) =	vunique.msk.u32 $0xffff, v13;
	[tilespmem:v1+s12+$0x0] =	vst.idx.add.s32.msk vm0, v3  }
0x98: {  	v15 =	vld [tilespmem:s29+$0x50]  }
0x99: {  	_, v1, vm0 =	vpop (xrf1);
	(xrf1) =	vunique.msk.u32 $0xffff, v10;
	[tilespmem:v4+s12+$0x0] =	vst.idx.add.s32.msk vm1, v6  }
0x9a: {  	v16 =	vld [tilespmem:s22+$0x20]  }
0x9b: {  	_, v4, vm1 =	vpop (xrf1);
	(xrf1) =	vunique.msk.u32 $0xffff, v14;
	_ =	sdelay $0x1  }
0x9c: {  	[tilespmem:v9+s12+$0x0] =	vst.idx.add.s32.msk vm2, v8;
	_, v8, vm2 =	vpop (xrf1);
	(xrf1) =	vunique.msk.u32 $0xffff, v15  }
0x9d: {  	v6 =	vld [tilespmem:s24+$0x40]  }
0x9e: {  	[tilespmem:v12+s12+$0x0] =	vst.idx.add.s32.msk vm0, v1;
	(xrf1) =	vunique.msk.u32 $0xffff, v16  }
0x9f: {  	v3 =	vld [tilespmem:s23+$0x10]  }
0xa0: {  	_, v1, vm0 =	vpop (xrf1);
	[tilespmem:v2+s12+$0x0] =	vst.idx.add.s32.msk vm1, v4  }
0xa1: {  	v2 =	vld [tilespmem:s30+$0x60]  }
0xa2: {  	_, v9, vm1 =	vpop (xrf1);
	[tilespmem:v7+s12+$0x0] =	vst.idx.add.s32.msk vm2, v8;
	(xrf1) =	vunique.msk.u32 $0xffff, v6  }
0xa3: {  	v4 =	vld [tilespmem:s19+$0x30]  }
0xa4: {  	s28 =	simm.s32 $0x580;
	_, v12, vm2 =	vpop (xrf1);
	(xrf1) =	vunique.msk.u32 $0xffff, v3  }
0xa5: {  	v8 =	vld [tilespmem:s28+$0x0]  }
0xa6: {  	[tilespmem:v5+s12+$0x0] =	vst.idx.add.s32.msk vm0, v1;
	_, v17, vm3 =	vpop (xrf1);
	(xrf1) =	vunique.msk.u32 $0xffff, v2  }
0xa7: {  	v7 =	vld [tilespmem:s25+$0x50]  }
0xa8: {  	[tilespmem:v11+s12+$0x0] =	vst.idx.add.s32.msk vm1, v9;
	_, v18, vm0 =	vpop (xrf1);
	(xrf1) =	vunique.msk.u32 $0xffff, v4  }
0xa9: {  	v5 =	vld [tilespmem:s20+$0x20]  }
0xaa: {  	(xrf1) =	vunique.msk.u32 $0xffff, v8;
	[tilespmem:v13+s12+$0x0] =	vst.idx.add.s32.msk vm2, v12;
	_, v11, vm1 =	vpop (xrf1)  }
0xab: {  	v1 =	vld [tilespmem:s0+$0x70]  }
0xac: {  	(xrf1) =	vunique.msk.u32 $0xffff, v7;
	[tilespmem:v10+s12+$0x0] =	vst.idx.add.s32.msk vm3, v17;
	_, v17, vm2 =	vpop (xrf1)  }
0xad: {  	v9 =	vld [tilespmem:s21+$0x40]  }
0xae: {  	(xrf1) =	vunique.msk.u32 $0xffff, v5;
	[tilespmem:v14+s12+$0x0] =	vst.idx.add.s32.msk vm0, v18  }
0xaf: {  	v10 =	vld [tilespmem:s26+$0x10]  }
0xb0: {  	[tilespmem:v15+s12+$0x0] =	vst.idx.add.s32.msk vm1, v11;
	_, v14, vm1 =	vpop (xrf1);
	(xrf1) =	vunique.msk.u32 $0xffff, v1  }
0xb1: {  	v12 =	vld [tilespmem:s29+$0x60]  }
0xb2: {  	[tilespmem:v16+s12+$0x0] =	vst.idx.add.s32.msk vm2, v17;
	(xrf1) =	vunique.msk.u32 $0xffff, v9;
	_, v13, vm0 =	vpop (xrf1)  }
0xb3: {  	v11 =	vld [tilespmem:s22+$0x30]  }
0xb4: {  	s31 =	simm.s32 $0x600;
	s0 =	simm.s32 $0x1A00;
	(xrf1) =	vunique.msk.u32 $0xffff, v10;
	_, v15, vm2 =	vpop (xrf1)  }
.LBB2_5:
0xb5: {  	p0 =	sne.s32 s0, $0xFE00;
	v16 =	vld [tilespmem:s31+$0x0]  }
0xb6: {  	_, v17, vm3 =	vpop (xrf1);
	[tilespmem:v6+s12+$0x0] =	vst.idx.add.s32.msk vm1, v14;
	(xrf1) =	vunique.msk.u32 $0xffff, v12;
	v6 =	vmov v9  }
0xb7: {  	v18 =	vld [tilespmem:s24+$0x50]  }
0xb8: {  	_, v14, vm1 =	vpop (xrf1);
	[tilespmem:v3+s12+$0x0] =	vst.idx.add.s32.msk vm0, v13;
	(xrf1) =	vunique.msk.u32 $0xffff, v11;
	v3 =	vmov v10  }
0xb9: {  	v19 =	vld [tilespmem:s23+$0x20]  }
0xba: {  	(xrf1) =	vunique.msk.u32 $0xffff, v16;
	_, v13, vm0 =	vpop (xrf1);
	[tilespmem:v2+s12+$0x0] =	vst.idx.add.s32.msk vm2, v15;
	v2 =	vmov v12  }
0xbb: {  	v20 =	vld [tilespmem:s30+$0x70];
	s30 =	smov.u32 s29;
	s29 =	smov.u32 s25;
	s25 =	smov.u32 s24  }
0xbc: {  	s24 =	smov.u32 s21;
	s21 =	smov.u32 s19;
	s19 =	smov.u32 s22;
	_, v15, vm2 =	vpop (xrf1);
	[tilespmem:v4+s12+$0x0] =	vst.idx.add.s32.msk vm3, v17;
	(xrf1) =	vunique.msk.u32 $0xffff, v18;
	v4 =	vmov v11  }
0xbd: {  	s22 =	smov.u32 s20;
	s20 =	smov.u32 s23;
	s23 =	smov.u32 s26;
	v9 =	vld [tilespmem:s21+$0x40]  }
0xbe: {  	s26 =	smov.u32 s28;
	s28 =	smov.u32 s31;
	[tilespmem:v8+s12+$0x0] =	vst.idx.add.s32.msk vm1, v14;
	(xrf1) =	vunique.msk.u32 $0xffff, v19;
	_, v17, vm3 =	vpop (xrf1);
	v8 =	vmov v16  }
0xbf: {  	v10 =	vld [tilespmem:s26+$0x10]  }
.Ltmp1:
0xc0: {  	_, v14, vm1 =	vpop (xrf1);
	[tilespmem:v7+s12+$0x0] =	vst.idx.add.s32.msk vm0, v13;
	(xrf1) =	vunique.msk.u32 $0xffff, v20;
	v7 =	vmov v18;
	(pc) =	sbr.rel @p0 .LBB2_5-.Ltmp1, $4  }
0xc1: {  	v12 =	vld [tilespmem:s29+$0x60]  }
0xc2: {  	_, v13, vm0 =	vpop (xrf1);
	[tilespmem:v5+s12+$0x0] =	vst.idx.add.s32.msk vm2, v15;
	(xrf1) =	vunique.msk.u32 $0xffff, v9;
	v5 =	vmov v19  }
0xc3: {  	v11 =	vld [tilespmem:s22+$0x30]  }
0xc4: {  	s31 =	sshra.s32 s0, $0x2;
	s0 =	sadd.s32 $0x200, s0;
	(xrf1) =	vunique.msk.u32 $0xffff, v10;
	_, v15, vm2 =	vpop (xrf1);
	[tilespmem:v1+s12+$0x0] =	vst.idx.add.s32.msk vm3, v17;
	v1 =	vmov v20  }
0xc5: {  	_ =	sdelay $0x1  }
0xc6: {  	v16 =	vld [tilespmem:s31+$0x0]  }
0xc7: {  	(xrf1) =	vunique.msk.u32 $0xffff, v12;
	_ =	sdelay $0x1  }
0xc8: {  	[tilespmem:v6+s12+$0x0] =	vst.idx.add.s32.msk vm1, v14;
	_, v17, vm3 =	vpop (xrf1);
	(xrf1) =	vunique.msk.u32 $0xffff, v11  }
0xc9: {  	[tilespmem:v3+s12+$0x0] =	vst.idx.add.s32.msk vm0, v13  }
0xca: {  	[tilespmem:v2+s12+$0x0] =	vst.idx.add.s32.msk vm2, v15;
	_, v14, vm1 =	vpop (xrf1);
	(xrf1) =	vunique.msk.u32 $0xffff, v16  }
0xcb: {  	v6 =	vld [tilespmem:s24+$0x50]  }
0xcc: {  	v13 =	vld [tilespmem:s23+$0x20];
	_, v18, vm4 =	vpop (xrf1)  }
0xcd: {  	v2 =	vld [tilespmem:s30+$0x70]  }
0xce: {  	_, v15, vm2 =	vpop (xrf1);
	[tilespmem:v4+s12+$0x0] =	vst.idx.add.s32.msk vm3, v17  }
0xcf: {  	v17 =	vld [tilespmem:s19+$0x40];
	_, v3, vm0 =	vpop (xrf1)  }
0xd0: {  	[tilespmem:v8+s12+$0x0] =	vst.idx.add.s32.msk vm1, v14;
	_, v4, vm1 =	vpop (xrf1)  }
0xd1: {  	v8 =	vld [tilespmem:s28+$0x10]  }
0xd2: {  	(xrf1) =	vunique.msk.u32 $0xffff, v6;
	[tilespmem:v7+s12+$0x0] =	vst.idx.add.s32.msk vm4, v18;
	_, v7, vm3 =	vpop (xrf1)  }
0xd3: {  	v14 =	vld [tilespmem:s25+$0x60]  }
0xd4: {  	(xrf1) =	vunique.msk.u32 $0xffff, v13;
	[tilespmem:v5+s12+$0x0] =	vst.idx.add.s32.msk vm2, v15;
	_, v5, vm2 =	vpop (xrf1)  }
0xd5: {  	(xrf1) =	vunique.msk.u32 $0xffff, v2;
	v15 =	vld [tilespmem:s20+$0x30]  }
0xd6: {  	(xrf1) =	vunique.msk.u32 $0xffff, v17;
	_, v18, vm4 =	vpop (xrf1);
	[tilespmem:v9+s12+$0x0] =	vst.idx.add.s32.msk vm1, v4  }
0xd7: {  	v9 =	vld [tilespmem:s21+$0x50]  }
0xd8: {  	(xrf1) =	vunique.msk.u32 $0xffff, v8;
	_, v19, vm1 =	vpop (xrf1);
	[tilespmem:v10+s12+$0x0] =	vst.idx.add.s32.msk vm3, v7  }
0xd9: {  	v10 =	vld [tilespmem:s26+$0x20]  }
0xda: {  	(xrf1) =	vunique.msk.u32 $0xffff, v14;
	[tilespmem:v12+s12+$0x0] =	vst.idx.add.s32.msk vm2, v5  }
0xdb: {  	v4 =	vld [tilespmem:s29+$0x70]  }
0xdc: {  	(xrf1) =	vunique.msk.u32 $0xffff, v15;
	[tilespmem:v11+s12+$0x0] =	vst.idx.add.s32.msk vm4, v18  }
0xdd: {  	v11 =	vld [tilespmem:s22+$0x40]  }
0xde: {  	(xrf1) =	vunique.msk.u32 $0xffff, v9;
	[tilespmem:v16+s12+$0x0] =	vst.idx.add.s32.msk vm1, v19  }
0xdf: {  	v12 =	vld [tilespmem:s31+$0x10]  }
0xe0: {  	_, v7, vm2 =	vpop (xrf1);
	(xrf1) =	vunique.msk.u32 $0xffff, v10  }
0xe1: {  	(xrf1) =	vunique.msk.u32 $0xffff, v4  }
0xe2: {  	_, v16, vm3 =	vpop (xrf1);
	(xrf1) =	vunique.msk.u32 $0xffff, v11  }
0xe3: {  	_, v5, vm1 =	vpop (xrf1)  }
0xe4: {  	_, v18, vm4 =	vpop (xrf1);
	(xrf1) =	vunique.msk.u32 $0xffff, v12;
	_ =	sdelay $0x1  }
0xe5: {  	[tilespmem:v6+s12+$0x0] =	vst.idx.add.s32.msk vm2, v7;
	_, v6, vm2 =	vpop (xrf1)  }
0xe6: {  	v57 =	vld [tilespmem:s24+$0x60]  }
0xe7: {  	[tilespmem:v13+s12+$0x0] =	vst.idx.add.s32.msk vm3, v16;
	_, v7, vm3 =	vpop (xrf1)  }
0xe8: {  	v13 =	vld [tilespmem:s23+$0x30]  }
0xe9: {  	_, v16, vm5 =	vpop (xrf1);
	[tilespmem:v17+s12+$0x0] =	vst.idx.add.s32.msk vm4, v18  }
0xea: {  	v17 =	vld [tilespmem:s19+$0x50]  }
0xeb: {  	[tilespmem:v8+s12+$0x0] =	vst.idx.add.s32.msk vm2, v6;
	_, v8, vm12 =	vpop (xrf1)  }
0xec: {  	v58 =	vld [tilespmem:s28+$0x20]  }
0xed: {  	(xrf1) =	vunique.msk.u32 $0xffff, v57;
	[tilespmem:v14+s12+$0x0] =	vst.idx.add.s32.msk vm3, v7;
	_, v14, vm3 =	vpop (xrf1)  }
0xee: {  	v6 =	vld [tilespmem:s25+$0x70];
	_, v7, vm2 =	vpop (xrf1)  }
0xef: {  	(xrf1) =	vunique.msk.u32 $0xffff, v13;
	[tilespmem:v15+s12+$0x0] =	vst.idx.add.s32.msk vm5, v16;
	_, v15, vm5 =	vpop (xrf1)  }
0xf0: {  	v16 =	vld [tilespmem:s20+$0x40]  }
0xf1: {  	(xrf1) =	vunique.msk.u32 $0xffff, v17;
	[tilespmem:v9+s12+$0x0] =	vst.idx.add.s32.msk vm12, v8;
	_, v8, vm4 =	vpop (xrf1)  }
0xf2: {  	v9 =	vld [tilespmem:s21+$0x60]  }
0xf3: {  	(xrf1) =	vunique.msk.u32 $0xffff, v58;
	[tilespmem:v10+s12+$0x0] =	vst.idx.add.s32.msk vm3, v14  }
0xf4: {  	(xrf1) =	vunique.msk.u32 $0xffff, v6;
	v10 =	vld [tilespmem:s26+$0x30]  }
0xf5: {  	(xrf1) =	vunique.msk.u32 $0xffff, v16;
	[tilespmem:v11+s12+$0x0] =	vst.idx.add.s32.msk vm5, v15  }
0xf6: {  	v11 =	vld [tilespmem:s22+$0x50]  }
0xf7: {  	(xrf1) =	vunique.msk.u32 $0xffff, v9;
	[tilespmem:v12+s12+$0x0] =	vst.idx.add.s32.msk vm4, v8  }
0xf8: {  	v8 =	vld [tilespmem:s31+$0x20]  }
0xf9: {  	(xrf1) =	vunique.msk.u32 $0xffff, v10;
	_ =	sdelay $0x1  }
0xfa: {  	_, v12, vm3 =	vpop (xrf1);
	(xrf1) =	vunique.msk.u32 $0xffff, v11;
	_ =	sdelay $0x1  }
0xfb: {  	_, v14, vm13 =	vpop (xrf1);
	(xrf1) =	vunique.msk.u32 $0xffff, v8;
	_ =	sdelay $0x1  }
0xfc: {  	_, v15, vm5 =	vpop (xrf1);
	_ =	sdelay $0x1  }
0xfd: {  	[tilespmem:v57+s12+$0x0] =	vst.idx.add.s32.msk vm3, v12;
	_, v12, vm6 =	vpop (xrf1)  }
0xfe: {  	v19 =	vld [tilespmem:s24+$0x70];
	_, v20, vm3 =	vpop (xrf1)  }
0xff: {  	[tilespmem:v13+s12+$0x0] =	vst.idx.add.s32.msk vm13, v14;
	_, v13, vm4 =	vpop (xrf1)  }
0x100: {  	v14 =	vld [tilespmem:s23+$0x40]  }
0x101: {  	[tilespmem:v17+s12+$0x0] =	vst.idx.add.s32.msk vm5, v15;
	_, v15, vm5 =	vpop (xrf1)  }
0x102: {  	v17 =	vld [tilespmem:s19+$0x60]  }
0x103: {  	[tilespmem:v58+s12+$0x0] =	vst.idx.add.s32.msk vm6, v12;
	_, v12, vm6 =	vpop (xrf1)  }
0x104: {  	v18 =	vld [tilespmem:s28+$0x30]  }
0x105: {  	[tilespmem:v16+s12+$0x0] =	vst.idx.add.s32.msk vm4, v13;
	_, v13, vm4 =	vpop (xrf1)  }
0x106: {  	(xrf1) =	vunique.msk.u32 $0xffff, v19;
	v16 =	vld [tilespmem:s20+$0x50]  }
0x107: {  	(xrf1) =	vunique.msk.u32 $0xffff, v14;
	[tilespmem:v9+s12+$0x0] =	vst.idx.add.s32.msk vm5, v15;
	_, v9, vm5 =	vpop (xrf1)  }
0x108: {  	v15 =	vld [tilespmem:s21+$0x70]  }
0x109: {  	(xrf1) =	vunique.msk.u32 $0xffff, v17;
	[tilespmem:v10+s12+$0x0] =	vst.idx.add.s32.msk vm6, v12  }
0x10a: {  	v10 =	vld [tilespmem:s26+$0x40]  }
0x10b: {  	(xrf1) =	vunique.msk.u32 $0xffff, v18;
	[tilespmem:v11+s12+$0x0] =	vst.idx.add.s32.msk vm4, v13  }
0x10c: {  	v11 =	vld [tilespmem:s22+$0x60]  }
0x10d: {  	(xrf1) =	vunique.msk.u32 $0xffff, v16;
	[tilespmem:v8+s12+$0x0] =	vst.idx.add.s32.msk vm5, v9  }
0x10e: {  	(xrf1) =	vunique.msk.u32 $0xffff, v15;
	v8 =	vld [tilespmem:s31+$0x30]  }
0x10f: {  	(xrf1) =	vunique.msk.u32 $0xffff, v10;
	_ =	sdelay $0x1  }
0x110: {  	(xrf1) =	vunique.msk.u32 $0xffff, v11;
	_ =	sdelay $0x1  }
0x111: {  	(xrf1) =	vunique.msk.u32 $0xffff, v8  }
0x112: {  	_, v9, vm4 =	vpop (xrf1)  }
0x113: {  	_, v12, vm14 =	vpop (xrf1);
	_ =	sdelay $0x1  }
0x114: {  	_, v13, vm15 =	vpop (xrf1);
	_ =	sdelay $0x1  }
0x115: {  	_, v21, vm7 =	vpop (xrf1);
	_ =	sdelay $0x1  }
0x116: {  	[tilespmem:v14+s12+$0x0] =	vst.idx.add.s32.msk vm14, v12;
	_, v12, vm8 =	vpop (xrf1)  }
0x117: {  	v14 =	vld [tilespmem:s23+$0x50];
	_, v22, vm5 =	vpop (xrf1)  }
0x118: {  	[tilespmem:v17+s12+$0x0] =	vst.idx.add.s32.msk vm15, v13;
	_, v13, vm6 =	vpop (xrf1)  }
0x119: {  	v17 =	vld [tilespmem:s19+$0x70]  }
0x11a: {  	[tilespmem:v18+s12+$0x0] =	vst.idx.add.s32.msk vm7, v21;
	_, v18, vm7 =	vpop (xrf1)  }
0x11b: {  	v21 =	vld [tilespmem:s28+$0x40]  }
0x11c: {  	[tilespmem:v16+s12+$0x0] =	vst.idx.add.s32.msk vm8, v12;
	_, v12, vm8 =	vpop (xrf1)  }
0x11d: {  	v16 =	vld [tilespmem:s20+$0x60]  }
0x11e: {  	[tilespmem:v10+s12+$0x0] =	vst.idx.add.s32.msk vm6, v13  }
0x11f: {  	v10 =	vld [tilespmem:s26+$0x50]  }
0x120: {  	(xrf1) =	vunique.msk.u32 $0xffff, v14;
	[tilespmem:v11+s12+$0x0] =	vst.idx.add.s32.msk vm7, v18  }
0x121: {  	(xrf1) =	vunique.msk.u32 $0xffff, v17;
	v11 =	vld [tilespmem:s22+$0x70]  }
0x122: {  	(xrf1) =	vunique.msk.u32 $0xffff, v21;
	[tilespmem:v8+s12+$0x0] =	vst.idx.add.s32.msk vm8, v12  }
0x123: {  	v8 =	vld [tilespmem:s31+$0x40]  }
0x124: {  	(xrf1) =	vunique.msk.u32 $0xffff, v16;
	_ =	sdelay $0x1  }
0x125: {  	(xrf1) =	vunique.msk.u32 $0xffff, v10  }
0x126: {  	(xrf1) =	vunique.msk.u32 $0xffff, v11  }
0x127: {  	(xrf1) =	vunique.msk.u32 $0xffff, v8;
	_ =	sdelay $0x5  }
0x128: {  	_, v12, vm12 =	vpop (xrf1)  }
0x129: {  	_, v13, vm6 =	vpop (xrf1)  }
0x12a: {  	_, v59, vm13 =	vpop (xrf1);
	_ =	sdelay $0x1  }
0x12b: {  	_, v23, vm9 =	vpop (xrf1);
	_ =	sdelay $0x1  }
0x12c: {  	[tilespmem:v14+s12+$0x0] =	vst.idx.add.s32.msk vm12, v12;
	_, v12, vm10 =	vpop (xrf1)  }
0x12d: {  	v14 =	vld [tilespmem:s23+$0x60];
	_, v24, vm7 =	vpop (xrf1)  }
0x12e: {  	[tilespmem:v21+s12+$0x0] =	vst.idx.add.s32.msk vm13, v59;
	_, v18, vm8 =	vpop (xrf1)  }
0x12f: {  	v21 =	vld [tilespmem:s28+$0x50]  }
0x130: {  	[tilespmem:v16+s12+$0x0] =	vst.idx.add.s32.msk vm9, v23  }
0x131: {  	v16 =	vld [tilespmem:s20+$0x70]  }
0x132: {  	[tilespmem:v10+s12+$0x0] =	vst.idx.add.s32.msk vm10, v12  }
0x133: {  	v10 =	vld [tilespmem:s26+$0x60]  }
0x134: {  	(xrf1) =	vunique.msk.u32 $0xffff, v14;
	[tilespmem:v8+s12+$0x0] =	vst.idx.add.s32.msk vm8, v18  }
0x135: {  	v8 =	vld [tilespmem:s31+$0x50]  }
0x136: {  	(xrf1) =	vunique.msk.u32 $0xffff, v21  }
0x137: {  	(xrf1) =	vunique.msk.u32 $0xffff, v16  }
0x138: {  	(xrf1) =	vunique.msk.u32 $0xffff, v10;
	_ =	sdelay $0x1  }
0x139: {  	(xrf1) =	vunique.msk.u32 $0xffff, v8;
	_ =	sdelay $0x7  }
0x13a: {  	_, v12, vm14 =	vpop (xrf1);
	_ =	sdelay $0x1  }
0x13b: {  	_, v60, vm15 =	vpop (xrf1)  }
0x13c: {  	_, v61, vm8 =	vpop (xrf1)  }
0x13d: {  	_, v25, vm11 =	vpop (xrf1);
	_ =	sdelay $0x1  }
0x13e: {  	[tilespmem:v14+s12+$0x0] =	vst.idx.add.s32.msk vm14, v12;
	_, v12, vm9 =	vpop (xrf1)  }
0x13f: {  	v14 =	vld [tilespmem:s23+$0x70]  }
0x140: {  	[tilespmem:v21+s12+$0x0] =	vst.idx.add.s32.msk vm15, v60  }
0x141: {  	v18 =	vld [tilespmem:s28+$0x60]  }
0x142: {  	[tilespmem:v10+s12+$0x0] =	vst.idx.add.s32.msk vm11, v25  }
0x143: {  	v10 =	vld [tilespmem:s26+$0x70]  }
0x144: {  	[tilespmem:v8+s12+$0x0] =	vst.idx.add.s32.msk vm9, v12  }
0x145: {  	v8 =	vld [tilespmem:s31+$0x60];
	_ =	sdelay $0x1  }
0x146: {  	(xrf1) =	vunique.msk.u32 $0xffff, v14  }
0x147: {  	(xrf1) =	vunique.msk.u32 $0xffff, v18  }
0x148: {  	(xrf1) =	vunique.msk.u32 $0xffff, v10  }
0x149: {  	(xrf1) =	vunique.msk.u32 $0xffff, v8;
	_ =	sdelay $0xa  }
0x14a: {  	_, v12, vm9 =	vpop (xrf1)  }
0x14b: {  	_, v21, vm10 =	vpop (xrf1)  }
0x14c: {  	_, v25, vm11 =	vpop (xrf1)  }
0x14d: {  	_, v26, vm12 =	vpop (xrf1);
	_ =	sdelay $0x4  }
0x14e: {  	[tilespmem:v18+s12+$0x0] =	vst.idx.add.s32.msk vm10, v21  }
0x14f: {  	[tilespmem:v8+s12+$0x0] =	vst.idx.add.s32.msk vm12, v26  }
0x150: {  	v8 =	vld [tilespmem:s28+$0x70]  }
0x151: {  	v62 =	vld [tilespmem:s31+$0x70];
	_ =	sdelay $0x3  }
0x152: {  	(xrf1) =	vunique.msk.u32 $0xffff, v8  }
0x153: {  	(xrf1) =	vunique.msk.u32 $0xffff, v62;
	_ =	sdelay $0x7  }
0x154: {  	[tilespmem:v1+s12+$0x0] =	vst.idx.add.s32.msk vm0, v3  }
0x155: {  	[tilespmem:v2+s12+$0x0] =	vst.idx.add.s32.msk vm1, v5  }
0x156: {  	[tilespmem:v4+s12+$0x0] =	vst.idx.add.s32.msk vm2, v7  }
0x157: {  	[tilespmem:v6+s12+$0x0] =	vst.idx.add.s32.msk vm3, v20  }
0x158: {  	[tilespmem:v19+s12+$0x0] =	vst.idx.add.s32.msk vm4, v9  }
0x159: {  	[tilespmem:v15+s12+$0x0] =	vst.idx.add.s32.msk vm5, v22;
	_, v1, vm0 =	vpop (xrf1)  }
0x15a: {  	[tilespmem:v17+s12+$0x0] =	vst.idx.add.s32.msk vm6, v13;
	_, v2, vm1 =	vpop (xrf1)  }
0x15b: {  	[tilespmem:v11+s12+$0x0] =	vst.idx.add.s32.msk vm7, v24  }
0x15c: {  	[tilespmem:v16+s12+$0x0] =	vst.idx.add.s32.msk vm8, v61  }
0x15d: {  	s19 =	sshll.u32 s18, $0x8;
	[tilespmem:v14+s12+$0x0] =	vst.idx.add.s32.msk vm9, v12  }
0x15e: {  	s0 =	sadd.s32 s19, s6;
	[tilespmem:v10+s12+$0x0] =	vst.idx.add.s32.msk vm11, v25  }
0x15f: {  	s0 =	sshll.u32 s0, $0x4;
	[tilespmem:v8+s12+$0x0] =	vst.idx.add.s32.msk vm0, v1  }
0x160: {  	s2 =	simm.s32 $0x0;
	s0 =	sadd.s32 s1, s0;
	[tilespmem:v62+s12+$0x0] =	vst.idx.add.s32.msk vm1, v2  }
0x161: {  	[tilespmem:s2], [sflag:$0x1] =	stream.linear.gather [hbm4b:s0+s2], $0x4000, $0x38;
	[tilespmem:$0x18000] =	vst v63  }
0x162: {  	_ =	swait.ge [sflag:s13], $0x4000  }
0x163: {  	[sflag:s13] =	ssyncset.done $0x0  }
0x164: {  	s2 =	simm.s32 $0x0;
	[sflag:s13] =	ssyncadd.s32 $0xFFFFC000  }
0x165: {  	v1 =	vld [tilespmem:s2+$0x4000];
	_ =	sdelay $0x4  }
0x166: {  	(xrf1) =	vunique.msk.u32 $0xffff, v1;
	_ =	sdelay $0x9  }
0x167: {  	s31 =	simm.s32 $0x80  }
0x168: {  	v2 =	vld [tilespmem:s31+$0x4000];
	_ =	sdelay $0x2  }
0x169: {  	_, v3, vm0 =	vpop (xrf1);
	_ =	sdelay $0x1  }
0x16a: {  	(xrf1) =	vunique.msk.u32 $0xffff, v2;
	_ =	sdelay $0x3  }
0x16b: {  	[tilespmem:v1+s12+$0x0] =	vst.idx.add.s32.msk vm0, v3  }
0x16c: {  	v1 =	vld [tilespmem:s2+$0x4010];
	_ =	sdelay $0x4  }
0x16d: {  	s30 =	simm.s32 $0x100;
	(xrf1) =	vunique.msk.u32 $0xffff, v1  }
0x16e: {  	v3 =	vld [tilespmem:s30+$0x4000];
	_ =	sdelay $0x2  }
0x16f: {  	_, v4, vm0 =	vpop (xrf1);
	_ =	sdelay $0x1  }
0x170: {  	(xrf1) =	vunique.msk.u32 $0xffff, v3;
	_ =	sdelay $0x3  }
0x171: {  	[tilespmem:v2+s12+$0x0] =	vst.idx.add.s32.msk vm0, v4  }
0x172: {  	v2 =	vld [tilespmem:s31+$0x4010];
	_ =	sdelay $0x2  }
0x173: {  	_, v4, vm0 =	vpop (xrf1);
	_ =	sdelay $0x1  }
0x174: {  	s26 =	simm.s32 $0x180;
	(xrf1) =	vunique.msk.u32 $0xffff, v2  }
0x175: {  	v5 =	vld [tilespmem:s26+$0x4000];
	_ =	sdelay $0x2  }
0x176: {  	[tilespmem:v1+s12+$0x0] =	vst.idx.add.s32.msk vm0, v4;
	_, v1, vm0 =	vpop (xrf1)  }
0x177: {  	v4 =	vld [tilespmem:s2+$0x4020]  }
0x178: {  	(xrf1) =	vunique.msk.u32 $0xffff, v5;
	_ =	sdelay $0x3  }
0x179: {  	(xrf1) =	vunique.msk.u32 $0xffff, v4;
	[tilespmem:v3+s12+$0x0] =	vst.idx.add.s32.msk vm0, v1  }
0x17a: {  	v1 =	vld [tilespmem:s30+$0x4010];
	_ =	sdelay $0x2  }
0x17b: {  	_, v3, vm0 =	vpop (xrf1);
	_ =	sdelay $0x1  }
0x17c: {  	s25 =	simm.s32 $0x200;
	(xrf1) =	vunique.msk.u32 $0xffff, v1  }
0x17d: {  	v6 =	vld [tilespmem:s25+$0x4000];
	_ =	sdelay $0x2  }
0x17e: {  	_, v7, vm1 =	vpop (xrf1);
	[tilespmem:v2+s12+$0x0] =	vst.idx.add.s32.msk vm0, v3  }
0x17f: {  	v2 =	vld [tilespmem:s31+$0x4020]  }
0x180: {  	(xrf1) =	vunique.msk.u32 $0xffff, v6;
	_ =	sdelay $0x1  }
0x181: {  	_, v3, vm0 =	vpop (xrf1);
	_ =	sdelay $0x1  }
0x182: {  	[tilespmem:v5+s12+$0x0] =	vst.idx.add.s32.msk vm1, v7;
	(xrf1) =	vunique.msk.u32 $0xffff, v2  }
0x183: {  	v5 =	vld [tilespmem:s26+$0x4010];
	_ =	sdelay $0x2  }
0x184: {  	[tilespmem:v4+s12+$0x0] =	vst.idx.add.s32.msk vm0, v3;
	_, v3, vm0 =	vpop (xrf1)  }
0x185: {  	v4 =	vld [tilespmem:s2+$0x4030]  }
0x186: {  	s22 =	simm.s32 $0x280;
	(xrf1) =	vunique.msk.u32 $0xffff, v5  }
0x187: {  	v7 =	vld [tilespmem:s22+$0x4000];
	_ =	sdelay $0x2  }
0x188: {  	_, v8, vm1 =	vpop (xrf1);
	(xrf1) =	vunique.msk.u32 $0xffff, v4;
	[tilespmem:v1+s12+$0x0] =	vst.idx.add.s32.msk vm0, v3  }
0x189: {  	v1 =	vld [tilespmem:s30+$0x4020]  }
0x18a: {  	(xrf1) =	vunique.msk.u32 $0xffff, v7;
	_ =	sdelay $0x1  }
0x18b: {  	_, v3, vm0 =	vpop (xrf1);
	_ =	sdelay $0x1  }
0x18c: {  	[tilespmem:v6+s12+$0x0] =	vst.idx.add.s32.msk vm1, v8;
	(xrf1) =	vunique.msk.u32 $0xffff, v1  }
0x18d: {  	v6 =	vld [tilespmem:s25+$0x4010];
	_ =	sdelay $0x2  }
0x18e: {  	_, v8, vm1 =	vpop (xrf1);
	[tilespmem:v2+s12+$0x0] =	vst.idx.add.s32.msk vm0, v3  }
0x18f: {  	v2 =	vld [tilespmem:s31+$0x4030]  }
0x190: {  	s20 =	simm.s32 $0x300;
	(xrf1) =	vunique.msk.u32 $0xffff, v6  }
0x191: {  	v3 =	vld [tilespmem:s20+$0x4000]  }
0x192: {  	_, v9, vm0 =	vpop (xrf1);
	_ =	sdelay $0x1  }
0x193: {  	[tilespmem:v5+s12+$0x0] =	vst.idx.add.s32.msk vm1, v8;
	(xrf1) =	vunique.msk.u32 $0xffff, v2;
	_, v10, vm2 =	vpop (xrf1)  }
0x194: {  	v5 =	vld [tilespmem:s26+$0x4020]  }
0x195: {  	(xrf1) =	vunique.msk.u32 $0xffff, v3;
	_ =	sdelay $0x1  }
0x196: {  	[tilespmem:v4+s12+$0x0] =	vst.idx.add.s32.msk vm0, v9;
	_, v4, vm0 =	vpop (xrf1)  }
0x197: {  	v8 =	vld [tilespmem:s2+$0x4040]  }
0x198: {  	(xrf1) =	vunique.msk.u32 $0xffff, v5;
	[tilespmem:v7+s12+$0x0] =	vst.idx.add.s32.msk vm2, v10  }
0x199: {  	v7 =	vld [tilespmem:s22+$0x4010];
	_ =	sdelay $0x2  }
0x19a: {  	_, v9, vm1 =	vpop (xrf1);
	(xrf1) =	vunique.msk.u32 $0xffff, v8;
	[tilespmem:v1+s12+$0x0] =	vst.idx.add.s32.msk vm0, v4  }
0x19b: {  	v1 =	vld [tilespmem:s30+$0x4030]  }
0x19c: {  	s23 =	simm.s32 $0x380;
	(xrf1) =	vunique.msk.u32 $0xffff, v7  }
0x19d: {  	v4 =	vld [tilespmem:s23+$0x4000]  }
0x19e: {  	_, v10, vm0 =	vpop (xrf1);
	_ =	sdelay $0x1  }
0x19f: {  	[tilespmem:v6+s12+$0x0] =	vst.idx.add.s32.msk vm1, v9;
	_, v6, vm1 =	vpop (xrf1);
	(xrf1) =	vunique.msk.u32 $0xffff, v1  }
0x1a0: {  	v9 =	vld [tilespmem:s25+$0x4020]  }
0x1a1: {  	(xrf1) =	vunique.msk.u32 $0xffff, v4;
	_ =	sdelay $0x1  }
0x1a2: {  	_, v11, vm2 =	vpop (xrf1);
	[tilespmem:v2+s12+$0x0] =	vst.idx.add.s32.msk vm0, v10  }
0x1a3: {  	v2 =	vld [tilespmem:s31+$0x4040]  }
0x1a4: {  	[tilespmem:v3+s12+$0x0] =	vst.idx.add.s32.msk vm1, v6;
	(xrf1) =	vunique.msk.u32 $0xffff, v9  }
0x1a5: {  	v3 =	vld [tilespmem:s20+$0x4010]  }
0x1a6: {  	_, v6, vm0 =	vpop (xrf1);
	_ =	sdelay $0x1  }
0x1a7: {  	[tilespmem:v5+s12+$0x0] =	vst.idx.add.s32.msk vm2, v11;
	(xrf1) =	vunique.msk.u32 $0xffff, v2;
	_, v10, vm1 =	vpop (xrf1)  }
0x1a8: {  	v5 =	vld [tilespmem:s26+$0x4030]  }
0x1a9: {  	s21 =	simm.s32 $0x400;
	(xrf1) =	vunique.msk.u32 $0xffff, v3  }
0x1aa: {  	v11 =	vld [tilespmem:s21+$0x4000]  }
0x1ab: {  	[tilespmem:v8+s12+$0x0] =	vst.idx.add.s32.msk vm0, v6;
	_, v6, vm0 =	vpop (xrf1)  }
0x1ac: {  	v8 =	vld [tilespmem:s2+$0x4050]  }
0x1ad: {  	(xrf1) =	vunique.msk.u32 $0xffff, v5;
	[tilespmem:v7+s12+$0x0] =	vst.idx.add.s32.msk vm1, v10;
	_, v7, vm1 =	vpop (xrf1)  }
0x1ae: {  	v10 =	vld [tilespmem:s22+$0x4020]  }
0x1af: {  	(xrf1) =	vunique.msk.u32 $0xffff, v11;
	_ =	sdelay $0x1  }
0x1b0: {  	_, v12, vm2 =	vpop (xrf1);
	(xrf1) =	vunique.msk.u32 $0xffff, v8;
	[tilespmem:v1+s12+$0x0] =	vst.idx.add.s32.msk vm0, v6  }
0x1b1: {  	v1 =	vld [tilespmem:s30+$0x4040]  }
0x1b2: {  	(xrf1) =	vunique.msk.u32 $0xffff, v10;
	[tilespmem:v4+s12+$0x0] =	vst.idx.add.s32.msk vm1, v7  }
0x1b3: {  	v4 =	vld [tilespmem:s23+$0x4010]  }
0x1b4: {  	_, v6, vm0 =	vpop (xrf1);
	_ =	sdelay $0x1  }
0x1b5: {  	[tilespmem:v9+s12+$0x0] =	vst.idx.add.s32.msk vm2, v12;
	_, v7, vm1 =	vpop (xrf1);
	(xrf1) =	vunique.msk.u32 $0xffff, v1  }
0x1b6: {  	v9 =	vld [tilespmem:s25+$0x4030]  }
0x1b7: {  	s24 =	simm.s32 $0x480;
	(xrf1) =	vunique.msk.u32 $0xffff, v4  }
0x1b8: {  	v12 =	vld [tilespmem:s24+$0x4000]  }
0x1b9: {  	_, v13, vm2 =	vpop (xrf1);
	[tilespmem:v2+s12+$0x0] =	vst.idx.add.s32.msk vm0, v6  }
0x1ba: {  	v2 =	vld [tilespmem:s31+$0x4050]  }
0x1bb: {  	(xrf1) =	vunique.msk.u32 $0xffff, v9;
	_, v6, vm0 =	vpop (xrf1);
	[tilespmem:v3+s12+$0x0] =	vst.idx.add.s32.msk vm1, v7  }
0x1bc: {  	v7 =	vld [tilespmem:s20+$0x4020]  }
0x1bd: {  	(xrf1) =	vunique.msk.u32 $0xffff, v12;
	_, v3, vm1 =	vpop (xrf1);
	_ =	sdelay $0x1  }
0x1be: {  	[tilespmem:v5+s12+$0x0] =	vst.idx.add.s32.msk vm2, v13;
	(xrf1) =	vunique.msk.u32 $0xffff, v2;
	_, v14, vm3 =	vpop (xrf1)  }
0x1bf: {  	v5 =	vld [tilespmem:s26+$0x4040]  }
0x1c0: {  	[tilespmem:v11+s12+$0x0] =	vst.idx.add.s32.msk vm0, v6;
	(xrf1) =	vunique.msk.u32 $0xffff, v7  }
0x1c1: {  	v11 =	vld [tilespmem:s21+$0x4010]  }
0x1c2: {  	[tilespmem:v8+s12+$0x0] =	vst.idx.add.s32.msk vm1, v3;
	_, v3, vm0 =	vpop (xrf1)  }
0x1c3: {  	v13 =	vld [tilespmem:s2+$0x4060]  }
0x1c4: {  	(xrf1) =	vunique.msk.u32 $0xffff, v5;
	[tilespmem:v10+s12+$0x0] =	vst.idx.add.s32.msk vm3, v14;
	_, v6, vm1 =	vpop (xrf1)  }
0x1c5: {  	v10 =	vld [tilespmem:s22+$0x4030]  }
0x1c6: {  	s28 =	simm.s32 $0x500;
	(xrf1) =	vunique.msk.u32 $0xffff, v11  }
0x1c7: {  	v14 =	vld [tilespmem:s28+$0x4000]  }
0x1c8: {  	_, v8, vm2 =	vpop (xrf1);
	(xrf1) =	vunique.msk.u32 $0xffff, v13;
	[tilespmem:v1+s12+$0x0] =	vst.idx.add.s32.msk vm0, v3  }
0x1c9: {  	v15 =	vld [tilespmem:s30+$0x4050]  }
0x1ca: {  	_, v1, vm0 =	vpop (xrf1);
	(xrf1) =	vunique.msk.u32 $0xffff, v10;
	[tilespmem:v4+s12+$0x0] =	vst.idx.add.s32.msk vm1, v6  }
0x1cb: {  	v16 =	vld [tilespmem:s23+$0x4020]  }
0x1cc: {  	(xrf1) =	vunique.msk.u32 $0xffff, v14;
	_, v4, vm1 =	vpop (xrf1);
	_ =	sdelay $0x1  }
0x1cd: {  	[tilespmem:v9+s12+$0x0] =	vst.idx.add.s32.msk vm2, v8;
	_, v8, vm2 =	vpop (xrf1);
	(xrf1) =	vunique.msk.u32 $0xffff, v15  }
0x1ce: {  	v6 =	vld [tilespmem:s25+$0x4040]  }
0x1cf: {  	[tilespmem:v12+s12+$0x0] =	vst.idx.add.s32.msk vm0, v1;
	(xrf1) =	vunique.msk.u32 $0xffff, v16  }
0x1d0: {  	v3 =	vld [tilespmem:s24+$0x4010]  }
0x1d1: {  	_, v1, vm0 =	vpop (xrf1);
	[tilespmem:v2+s12+$0x0] =	vst.idx.add.s32.msk vm1, v4  }
0x1d2: {  	v2 =	vld [tilespmem:s31+$0x4060]  }
0x1d3: {  	_, v9, vm1 =	vpop (xrf1);
	[tilespmem:v7+s12+$0x0] =	vst.idx.add.s32.msk vm2, v8;
	(xrf1) =	vunique.msk.u32 $0xffff, v6  }
0x1d4: {  	v4 =	vld [tilespmem:s20+$0x4030]  }
0x1d5: {  	s29 =	simm.s32 $0x580;
	_, v12, vm2 =	vpop (xrf1);
	(xrf1) =	vunique.msk.u32 $0xffff, v3  }
0x1d6: {  	v8 =	vld [tilespmem:s29+$0x4000]  }
0x1d7: {  	[tilespmem:v5+s12+$0x0] =	vst.idx.add.s32.msk vm0, v1;
	_, v17, vm3 =	vpop (xrf1);
	(xrf1) =	vunique.msk.u32 $0xffff, v2  }
0x1d8: {  	v7 =	vld [tilespmem:s26+$0x4050]  }
0x1d9: {  	[tilespmem:v11+s12+$0x0] =	vst.idx.add.s32.msk vm1, v9;
	_, v63, vm0 =	vpop (xrf1);
	(xrf1) =	vunique.msk.u32 $0xffff, v4  }
0x1da: {  	v5 =	vld [tilespmem:s21+$0x4020]  }
0x1db: {  	(xrf1) =	vunique.msk.u32 $0xffff, v8;
	[tilespmem:v13+s12+$0x0] =	vst.idx.add.s32.msk vm2, v12;
	_, v11, vm1 =	vpop (xrf1)  }
0x1dc: {  	v1 =	vld [tilespmem:s2+$0x4070]  }
0x1dd: {  	(xrf1) =	vunique.msk.u32 $0xffff, v7;
	[tilespmem:v10+s12+$0x0] =	vst.idx.add.s32.msk vm3, v17;
	_, v17, vm2 =	vpop (xrf1)  }
0x1de: {  	v9 =	vld [tilespmem:s22+$0x4040]  }
0x1df: {  	(xrf1) =	vunique.msk.u32 $0xffff, v5;
	[tilespmem:v14+s12+$0x0] =	vst.idx.add.s32.msk vm0, v63  }
0x1e0: {  	v10 =	vld [tilespmem:s28+$0x4010]  }
0x1e1: {  	[tilespmem:v15+s12+$0x0] =	vst.idx.add.s32.msk vm1, v11;
	_, v14, vm1 =	vpop (xrf1);
	(xrf1) =	vunique.msk.u32 $0xffff, v1  }
0x1e2: {  	v12 =	vld [tilespmem:s30+$0x4060]  }
0x1e3: {  	[tilespmem:v16+s12+$0x0] =	vst.idx.add.s32.msk vm2, v17;
	(xrf1) =	vunique.msk.u32 $0xffff, v9;
	_, v13, vm0 =	vpop (xrf1)  }
0x1e4: {  	v11 =	vld [tilespmem:s23+$0x4030]  }
0x1e5: {  	s0 =	simm.s32 $0x600;
	s2 =	simm.s32 $0x1A00;
	(xrf1) =	vunique.msk.u32 $0xffff, v10;
	_, v15, vm2 =	vpop (xrf1)  }
.LBB2_7:
0x1e6: {  	p0 =	sne.s32 s2, $0xFE00;
	v16 =	vld [tilespmem:s0+$0x4000]  }
0x1e7: {  	_, v17, vm3 =	vpop (xrf1);
	[tilespmem:v6+s12+$0x0] =	vst.idx.add.s32.msk vm1, v14;
	(xrf1) =	vunique.msk.u32 $0xffff, v12;
	v6 =	vmov v9  }
0x1e8: {  	v18 =	vld [tilespmem:s25+$0x4050]  }
0x1e9: {  	_, v14, vm1 =	vpop (xrf1);
	[tilespmem:v3+s12+$0x0] =	vst.idx.add.s32.msk vm0, v13;
	(xrf1) =	vunique.msk.u32 $0xffff, v11;
	v3 =	vmov v10  }
0x1ea: {  	v19 =	vld [tilespmem:s24+$0x4020]  }
0x1eb: {  	(xrf1) =	vunique.msk.u32 $0xffff, v16;
	_, v13, vm0 =	vpop (xrf1);
	[tilespmem:v2+s12+$0x0] =	vst.idx.add.s32.msk vm2, v15;
	v2 =	vmov v12  }
0x1ec: {  	v20 =	vld [tilespmem:s31+$0x4070];
	s31 =	smov.u32 s30;
	s30 =	smov.u32 s26;
	s26 =	smov.u32 s25  }
0x1ed: {  	s25 =	smov.u32 s22;
	s22 =	smov.u32 s20;
	s20 =	smov.u32 s23;
	_, v15, vm2 =	vpop (xrf1);
	[tilespmem:v4+s12+$0x0] =	vst.idx.add.s32.msk vm3, v17;
	(xrf1) =	vunique.msk.u32 $0xffff, v18;
	v4 =	vmov v11  }
0x1ee: {  	s23 =	smov.u32 s21;
	s21 =	smov.u32 s24;
	s24 =	smov.u32 s28;
	v9 =	vld [tilespmem:s22+$0x4040]  }
0x1ef: {  	s28 =	smov.u32 s29;
	s29 =	smov.u32 s0;
	[tilespmem:v8+s12+$0x0] =	vst.idx.add.s32.msk vm1, v14;
	(xrf1) =	vunique.msk.u32 $0xffff, v19;
	_, v17, vm3 =	vpop (xrf1);
	v8 =	vmov v16  }
0x1f0: {  	v10 =	vld [tilespmem:s28+$0x4010]  }
.Ltmp2:
0x1f1: {  	_, v14, vm1 =	vpop (xrf1);
	[tilespmem:v7+s12+$0x0] =	vst.idx.add.s32.msk vm0, v13;
	(xrf1) =	vunique.msk.u32 $0xffff, v20;
	v7 =	vmov v18;
	(pc) =	sbr.rel @p0 .LBB2_7-.Ltmp2, $4  }
0x1f2: {  	v12 =	vld [tilespmem:s30+$0x4060]  }
0x1f3: {  	_, v13, vm0 =	vpop (xrf1);
	[tilespmem:v5+s12+$0x0] =	vst.idx.add.s32.msk vm2, v15;
	(xrf1) =	vunique.msk.u32 $0xffff, v9;
	v5 =	vmov v19  }
0x1f4: {  	v11 =	vld [tilespmem:s23+$0x4030]  }
0x1f5: {  	s0 =	sshra.s32 s2, $0x2;
	s2 =	sadd.s32 $0x200, s2;
	(xrf1) =	vunique.msk.u32 $0xffff, v10;
	_, v15, vm2 =	vpop (xrf1);
	[tilespmem:v1+s12+$0x0] =	vst.idx.add.s32.msk vm3, v17;
	v1 =	vmov v20  }
0x1f6: {  	_ =	sdelay $0x1  }
0x1f7: {  	v16 =	vld [tilespmem:s0+$0x4000]  }
0x1f8: {  	(xrf1) =	vunique.msk.u32 $0xffff, v12;
	_ =	sdelay $0x1  }
0x1f9: {  	[tilespmem:v6+s12+$0x0] =	vst.idx.add.s32.msk vm1, v14;
	_, v17, vm3 =	vpop (xrf1);
	(xrf1) =	vunique.msk.u32 $0xffff, v11  }
0x1fa: {  	[tilespmem:v3+s12+$0x0] =	vst.idx.add.s32.msk vm0, v13  }
0x1fb: {  	[tilespmem:v2+s12+$0x0] =	vst.idx.add.s32.msk vm2, v15;
	_, v14, vm1 =	vpop (xrf1);
	(xrf1) =	vunique.msk.u32 $0xffff, v16  }
0x1fc: {  	v6 =	vld [tilespmem:s25+$0x4050]  }
0x1fd: {  	v13 =	vld [tilespmem:s24+$0x4020];
	_, v18, vm4 =	vpop (xrf1)  }
0x1fe: {  	v2 =	vld [tilespmem:s31+$0x4070]  }
0x1ff: {  	_, v15, vm2 =	vpop (xrf1);
	[tilespmem:v4+s12+$0x0] =	vst.idx.add.s32.msk vm3, v17  }
0x200: {  	v17 =	vld [tilespmem:s20+$0x4040];
	_, v3, vm0 =	vpop (xrf1)  }
0x201: {  	[tilespmem:v8+s12+$0x0] =	vst.idx.add.s32.msk vm1, v14;
	_, v34, vm14 =	vpop (xrf1)  }
0x202: {  	v8 =	vld [tilespmem:s29+$0x4010]  }
0x203: {  	(xrf1) =	vunique.msk.u32 $0xffff, v6;
	[tilespmem:v7+s12+$0x0] =	vst.idx.add.s32.msk vm4, v18;
	_, v35, vm15 =	vpop (xrf1)  }
0x204: {  	v36 =	vld [tilespmem:s26+$0x4060]  }
0x205: {  	(xrf1) =	vunique.msk.u32 $0xffff, v13;
	[tilespmem:v5+s12+$0x0] =	vst.idx.add.s32.msk vm2, v15;
	_, v5, vm2 =	vpop (xrf1)  }
0x206: {  	(xrf1) =	vunique.msk.u32 $0xffff, v2;
	v15 =	vld [tilespmem:s21+$0x4030]  }
0x207: {  	(xrf1) =	vunique.msk.u32 $0xffff, v17;
	_, v18, vm4 =	vpop (xrf1);
	[tilespmem:v9+s12+$0x0] =	vst.idx.add.s32.msk vm14, v34  }
0x208: {  	v9 =	vld [tilespmem:s22+$0x4050]  }
0x209: {  	(xrf1) =	vunique.msk.u32 $0xffff, v8;
	_, v19, vm7 =	vpop (xrf1);
	[tilespmem:v10+s12+$0x0] =	vst.idx.add.s32.msk vm15, v35  }
0x20a: {  	v10 =	vld [tilespmem:s28+$0x4020]  }
0x20b: {  	(xrf1) =	vunique.msk.u32 $0xffff, v36;
	[tilespmem:v12+s12+$0x0] =	vst.idx.add.s32.msk vm2, v5  }
0x20c: {  	v37 =	vld [tilespmem:s30+$0x4070]  }
0x20d: {  	(xrf1) =	vunique.msk.u32 $0xffff, v15;
	[tilespmem:v11+s12+$0x0] =	vst.idx.add.s32.msk vm4, v18  }
0x20e: {  	v11 =	vld [tilespmem:s23+$0x4040]  }
0x20f: {  	(xrf1) =	vunique.msk.u32 $0xffff, v9;
	[tilespmem:v16+s12+$0x0] =	vst.idx.add.s32.msk vm7, v19  }
0x210: {  	v38 =	vld [tilespmem:s0+$0x4010]  }
0x211: {  	_, v39, vm8 =	vpop (xrf1);
	(xrf1) =	vunique.msk.u32 $0xffff, v10  }
0x212: {  	(xrf1) =	vunique.msk.u32 $0xffff, v37  }
0x213: {  	_, v40, vm9 =	vpop (xrf1);
	(xrf1) =	vunique.msk.u32 $0xffff, v11  }
0x214: {  	_, v41, vm1 =	vpop (xrf1)  }
0x215: {  	_, v18, vm4 =	vpop (xrf1);
	(xrf1) =	vunique.msk.u32 $0xffff, v38;
	_ =	sdelay $0x1  }
0x216: {  	[tilespmem:v6+s12+$0x0] =	vst.idx.add.s32.msk vm8, v39;
	_, v6, vm2 =	vpop (xrf1)  }
0x217: {  	v42 =	vld [tilespmem:s25+$0x4060]  }
0x218: {  	[tilespmem:v13+s12+$0x0] =	vst.idx.add.s32.msk vm9, v40;
	_, v43, vm10 =	vpop (xrf1)  }
0x219: {  	v13 =	vld [tilespmem:s24+$0x4030]  }
0x21a: {  	_, v44, vm5 =	vpop (xrf1);
	[tilespmem:v17+s12+$0x0] =	vst.idx.add.s32.msk vm4, v18  }
0x21b: {  	v17 =	vld [tilespmem:s20+$0x4050]  }
0x21c: {  	[tilespmem:v8+s12+$0x0] =	vst.idx.add.s32.msk vm2, v6;
	_, v45, vm11 =	vpop (xrf1)  }
0x21d: {  	v46 =	vld [tilespmem:s29+$0x4020]  }
0x21e: {  	(xrf1) =	vunique.msk.u32 $0xffff, v42;
	[tilespmem:v36+s12+$0x0] =	vst.idx.add.s32.msk vm10, v43;
	_, v14, vm3 =	vpop (xrf1)  }
0x21f: {  	v47 =	vld [tilespmem:s26+$0x4070];
	_, v48, vm2 =	vpop (xrf1)  }
0x220: {  	[tilespmem:v15+s12+$0x0] =	vst.idx.add.s32.msk vm5, v44;
	(xrf1) =	vunique.msk.u32 $0xffff, v13;
	_, v15, vm5 =	vpop (xrf1)  }
0x221: {  	v16 =	vld [tilespmem:s21+$0x4040]  }
0x222: {  	(xrf1) =	vunique.msk.u32 $0xffff, v17;
	[tilespmem:v9+s12+$0x0] =	vst.idx.add.s32.msk vm11, v45;
	_, v8, vm4 =	vpop (xrf1)  }
0x223: {  	v9 =	vld [tilespmem:s22+$0x4060]  }
0x224: {  	(xrf1) =	vunique.msk.u32 $0xffff, v46;
	[tilespmem:v10+s12+$0x0] =	vst.idx.add.s32.msk vm3, v14  }
0x225: {  	(xrf1) =	vunique.msk.u32 $0xffff, v47;
	v10 =	vld [tilespmem:s28+$0x4030]  }
0x226: {  	(xrf1) =	vunique.msk.u32 $0xffff, v16;
	[tilespmem:v11+s12+$0x0] =	vst.idx.add.s32.msk vm5, v15  }
0x227: {  	v11 =	vld [tilespmem:s23+$0x4050]  }
0x228: {  	(xrf1) =	vunique.msk.u32 $0xffff, v9;
	[tilespmem:v38+s12+$0x0] =	vst.idx.add.s32.msk vm4, v8  }
0x229: {  	v8 =	vld [tilespmem:s0+$0x4020]  }
0x22a: {  	(xrf1) =	vunique.msk.u32 $0xffff, v10;
	_ =	sdelay $0x1  }
0x22b: {  	_, v49, vm12 =	vpop (xrf1);
	(xrf1) =	vunique.msk.u32 $0xffff, v11;
	_ =	sdelay $0x1  }
0x22c: {  	_, v50, vm13 =	vpop (xrf1);
	(xrf1) =	vunique.msk.u32 $0xffff, v8;
	_ =	sdelay $0x1  }
0x22d: {  	_, v15, vm5 =	vpop (xrf1);
	_ =	sdelay $0x1  }
0x22e: {  	[tilespmem:v42+s12+$0x0] =	vst.idx.add.s32.msk vm12, v49;
	_, v51, vm6 =	vpop (xrf1)  }
0x22f: {  	v19 =	vld [tilespmem:s25+$0x4070];
	_, v20, vm3 =	vpop (xrf1)  }
0x230: {  	[tilespmem:v13+s12+$0x0] =	vst.idx.add.s32.msk vm13, v50;
	_, v13, vm4 =	vpop (xrf1)  }
0x231: {  	v14 =	vld [tilespmem:s24+$0x4040]  }
0x232: {  	[tilespmem:v17+s12+$0x0] =	vst.idx.add.s32.msk vm5, v15;
	_, v15, vm5 =	vpop (xrf1)  }
0x233: {  	v17 =	vld [tilespmem:s20+$0x4060]  }
0x234: {  	[tilespmem:v46+s12+$0x0] =	vst.idx.add.s32.msk vm6, v51;
	_, v12, vm6 =	vpop (xrf1)  }
0x235: {  	v18 =	vld [tilespmem:s29+$0x4030]  }
0x236: {  	[tilespmem:v16+s12+$0x0] =	vst.idx.add.s32.msk vm4, v13;
	_, v13, vm4 =	vpop (xrf1)  }
0x237: {  	v16 =	vld [tilespmem:s21+$0x4050];
	(xrf1) =	vunique.msk.u32 $0xffff, v19  }
0x238: {  	[tilespmem:v9+s12+$0x0] =	vst.idx.add.s32.msk vm5, v15;
	(xrf1) =	vunique.msk.u32 $0xffff, v14;
	_, v9, vm5 =	vpop (xrf1)  }
0x239: {  	v15 =	vld [tilespmem:s22+$0x4070]  }
0x23a: {  	(xrf1) =	vunique.msk.u32 $0xffff, v17;
	[tilespmem:v10+s12+$0x0] =	vst.idx.add.s32.msk vm6, v12  }
0x23b: {  	v10 =	vld [tilespmem:s28+$0x4040]  }
0x23c: {  	(xrf1) =	vunique.msk.u32 $0xffff, v18;
	[tilespmem:v11+s12+$0x0] =	vst.idx.add.s32.msk vm4, v13  }
0x23d: {  	v11 =	vld [tilespmem:s23+$0x4060]  }
0x23e: {  	(xrf1) =	vunique.msk.u32 $0xffff, v16;
	[tilespmem:v8+s12+$0x0] =	vst.idx.add.s32.msk vm5, v9  }
0x23f: {  	(xrf1) =	vunique.msk.u32 $0xffff, v15;
	v8 =	vld [tilespmem:s0+$0x4030]  }
0x240: {  	(xrf1) =	vunique.msk.u32 $0xffff, v10;
	_ =	sdelay $0x1  }
0x241: {  	(xrf1) =	vunique.msk.u32 $0xffff, v11;
	_ =	sdelay $0x1  }
0x242: {  	(xrf1) =	vunique.msk.u32 $0xffff, v8  }
0x243: {  	_, v52, vm4 =	vpop (xrf1)  }
0x244: {  	_, v53, vm14 =	vpop (xrf1);
	_ =	sdelay $0x1  }
0x245: {  	_, v54, vm15 =	vpop (xrf1);
	_ =	sdelay $0x1  }
0x246: {  	_, v21, vm7 =	vpop (xrf1);
	_ =	sdelay $0x1  }
0x247: {  	_, v55, vm8 =	vpop (xrf1);
	[tilespmem:v14+s12+$0x0] =	vst.idx.add.s32.msk vm14, v53  }
0x248: {  	_, v22, vm5 =	vpop (xrf1);
	v14 =	vld [tilespmem:s24+$0x4050]  }
0x249: {  	[tilespmem:v17+s12+$0x0] =	vst.idx.add.s32.msk vm15, v54;
	_, v13, vm6 =	vpop (xrf1)  }
0x24a: {  	v17 =	vld [tilespmem:s20+$0x4070]  }
0x24b: {  	[tilespmem:v18+s12+$0x0] =	vst.idx.add.s32.msk vm7, v21;
	_, v18, vm7 =	vpop (xrf1)  }
0x24c: {  	v21 =	vld [tilespmem:s29+$0x4040]  }
0x24d: {  	[tilespmem:v16+s12+$0x0] =	vst.idx.add.s32.msk vm8, v55;
	_, v12, vm8 =	vpop (xrf1)  }
0x24e: {  	v16 =	vld [tilespmem:s21+$0x4060]  }
0x24f: {  	[tilespmem:v10+s12+$0x0] =	vst.idx.add.s32.msk vm6, v13  }
0x250: {  	v10 =	vld [tilespmem:s28+$0x4050]  }
0x251: {  	(xrf1) =	vunique.msk.u32 $0xffff, v14;
	[tilespmem:v11+s12+$0x0] =	vst.idx.add.s32.msk vm7, v18  }
0x252: {  	(xrf1) =	vunique.msk.u32 $0xffff, v17;
	v11 =	vld [tilespmem:s23+$0x4070]  }
0x253: {  	(xrf1) =	vunique.msk.u32 $0xffff, v21;
	[tilespmem:v8+s12+$0x0] =	vst.idx.add.s32.msk vm8, v12  }
0x254: {  	v8 =	vld [tilespmem:s0+$0x4040]  }
0x255: {  	(xrf1) =	vunique.msk.u32 $0xffff, v16;
	_ =	sdelay $0x1  }
0x256: {  	(xrf1) =	vunique.msk.u32 $0xffff, v10  }
0x257: {  	(xrf1) =	vunique.msk.u32 $0xffff, v11  }
0x258: {  	(xrf1) =	vunique.msk.u32 $0xffff, v8;
	_ =	sdelay $0x5  }
0x259: {  	_, v56, vm12 =	vpop (xrf1)  }
0x25a: {  	_, v13, vm6 =	vpop (xrf1)  }
0x25b: {  	_, v57, vm13 =	vpop (xrf1);
	_ =	sdelay $0x1  }
0x25c: {  	_, v23, vm9 =	vpop (xrf1);
	_ =	sdelay $0x1  }
0x25d: {  	[tilespmem:v14+s12+$0x0] =	vst.idx.add.s32.msk vm12, v56;
	_, v58, vm10 =	vpop (xrf1)  }
0x25e: {  	v14 =	vld [tilespmem:s24+$0x4060];
	_, v24, vm7 =	vpop (xrf1)  }
0x25f: {  	[tilespmem:v21+s12+$0x0] =	vst.idx.add.s32.msk vm13, v57;
	_, v18, vm8 =	vpop (xrf1)  }
0x260: {  	v21 =	vld [tilespmem:s29+$0x4050]  }
0x261: {  	[tilespmem:v16+s12+$0x0] =	vst.idx.add.s32.msk vm9, v23  }
0x262: {  	v16 =	vld [tilespmem:s21+$0x4070]  }
0x263: {  	[tilespmem:v10+s12+$0x0] =	vst.idx.add.s32.msk vm10, v58  }
0x264: {  	v10 =	vld [tilespmem:s28+$0x4060]  }
0x265: {  	(xrf1) =	vunique.msk.u32 $0xffff, v14;
	[tilespmem:v8+s12+$0x0] =	vst.idx.add.s32.msk vm8, v18  }
0x266: {  	v8 =	vld [tilespmem:s0+$0x4050]  }
0x267: {  	(xrf1) =	vunique.msk.u32 $0xffff, v21  }
0x268: {  	(xrf1) =	vunique.msk.u32 $0xffff, v16  }
0x269: {  	(xrf1) =	vunique.msk.u32 $0xffff, v10;
	_ =	sdelay $0x1  }
0x26a: {  	(xrf1) =	vunique.msk.u32 $0xffff, v8;
	_ =	sdelay $0x7  }
0x26b: {  	_, v59, vm14 =	vpop (xrf1);
	_ =	sdelay $0x1  }
0x26c: {  	_, v60, vm15 =	vpop (xrf1)  }
0x26d: {  	_, v61, vm8 =	vpop (xrf1)  }
0x26e: {  	_, v25, vm11 =	vpop (xrf1);
	_ =	sdelay $0x1  }
0x26f: {  	[tilespmem:v14+s12+$0x0] =	vst.idx.add.s32.msk vm14, v59;
	_, v12, vm9 =	vpop (xrf1)  }
0x270: {  	v14 =	vld [tilespmem:s24+$0x4070]  }
0x271: {  	[tilespmem:v21+s12+$0x0] =	vst.idx.add.s32.msk vm15, v60  }
0x272: {  	v18 =	vld [tilespmem:s29+$0x4060]  }
0x273: {  	[tilespmem:v10+s12+$0x0] =	vst.idx.add.s32.msk vm11, v25  }
0x274: {  	v10 =	vld [tilespmem:s28+$0x4070]  }
0x275: {  	[tilespmem:v8+s12+$0x0] =	vst.idx.add.s32.msk vm9, v12  }
0x276: {  	v8 =	vld [tilespmem:s0+$0x4060];
	_ =	sdelay $0x1  }
0x277: {  	(xrf1) =	vunique.msk.u32 $0xffff, v14  }
0x278: {  	(xrf1) =	vunique.msk.u32 $0xffff, v18  }
0x279: {  	(xrf1) =	vunique.msk.u32 $0xffff, v10  }
0x27a: {  	(xrf1) =	vunique.msk.u32 $0xffff, v8;
	_ =	sdelay $0xa  }
0x27b: {  	_, v12, vm9 =	vpop (xrf1)  }
0x27c: {  	_, v21, vm10 =	vpop (xrf1)  }
0x27d: {  	_, v25, vm11 =	vpop (xrf1)  }
0x27e: {  	_, v26, vm12 =	vpop (xrf1);
	_ =	sdelay $0x3  }
0x27f: {  	[tilespmem:v18+s12+$0x0] =	vst.idx.add.s32.msk vm10, v21  }
0x280: {  	v62 =	vld [tilespmem:s29+$0x4070]  }
0x281: {  	[tilespmem:v8+s12+$0x0] =	vst.idx.add.s32.msk vm12, v26  }
0x282: {  	v63 =	vld [tilespmem:s0+$0x4070];
	_ =	sdelay $0x3  }
0x283: {  	(xrf1) =	vunique.msk.u32 $0xffff, v62  }
0x284: {  	(xrf1) =	vunique.msk.u32 $0xffff, v63;
	_ =	sdelay $0x7  }
0x285: {  	[tilespmem:v1+s12+$0x0] =	vst.idx.add.s32.msk vm0, v3  }
0x286: {  	[tilespmem:v2+s12+$0x0] =	vst.idx.add.s32.msk vm1, v41  }
0x287: {  	[tilespmem:v37+s12+$0x0] =	vst.idx.add.s32.msk vm2, v48  }
0x288: {  	[tilespmem:v47+s12+$0x0] =	vst.idx.add.s32.msk vm3, v20  }
0x289: {  	[tilespmem:v19+s12+$0x0] =	vst.idx.add.s32.msk vm4, v52  }
0x28a: {  	[tilespmem:v15+s12+$0x0] =	vst.idx.add.s32.msk vm5, v22;
	_, v1, vm0 =	vpop (xrf1)  }
0x28b: {  	[tilespmem:v17+s12+$0x0] =	vst.idx.add.s32.msk vm6, v13;
	_, v2, vm1 =	vpop (xrf1)  }
0x28c: {  	s18 =	sadd.s32 $0x1, s18;
	[tilespmem:v11+s12+$0x0] =	vst.idx.add.s32.msk vm7, v24  }
0x28d: {  	p0 =	sne.s32 s18, $0x7;
	[tilespmem:v16+s12+$0x0] =	vst.idx.add.s32.msk vm8, v61  }
.Ltmp3:
0x28e: {  	[tilespmem:v14+s12+$0x0] =	vst.idx.add.s32.msk vm9, v12;
	(pc) =	sbr.rel @p0 .LBB2_4-.Ltmp3, $4  }
0x28f: {  	s31 =	sadd.s32 s19, s7;
	[tilespmem:v10+s12+$0x0] =	vst.idx.add.s32.msk vm11, v25  }
0x290: {  	s0 =	sshll.u32 s31, $0x4;
	[tilespmem:v62+s12+$0x0] =	vst.idx.add.s32.msk vm0, v1  }
0x291: {  	s0 =	sadd.s32 s1, s0;
	[tilespmem:v63+s12+$0x0] =	vst.idx.add.s32.msk vm1, v2  }
0x292: {  	[tilespmem:s10], [sflag:$0x2] =	stream.linear.gather [hbm4b:s0+s3], $0x4000, $0x38;
	[tilespmem:$0x18000] =	vst v63  }
0x293: {  	_ =	swait.ge [sflag:s11], $0x4000  }
0x294: {  	[sflag:s11] =	ssyncset.done $0x0  }
0x295: {  	s0 =	simm.s32 $0x0;
	[sflag:s11] =	ssyncadd.s32 $0xFFFFC000  }
0x296: {  	v1 =	vld [tilespmem:s0+$0x0];
	_ =	sdelay $0x4  }
0x297: {  	(xrf1) =	vunique.msk.u32 $0xffff, v1;
	_ =	sdelay $0x9  }
0x298: {  	s29 =	simm.s32 $0x80  }
0x299: {  	v2 =	vld [tilespmem:s29+$0x0];
	_ =	sdelay $0x2  }
0x29a: {  	_, v3, vm0 =	vpop (xrf1);
	_ =	sdelay $0x1  }
0x29b: {  	(xrf1) =	vunique.msk.u32 $0xffff, v2;
	_ =	sdelay $0x3  }
0x29c: {  	[tilespmem:v1+s12+$0x0] =	vst.idx.add.s32.msk vm0, v3  }
0x29d: {  	v1 =	vld [tilespmem:s0+$0x10];
	_ =	sdelay $0x4  }
0x29e: {  	s28 =	simm.s32 $0x100;
	(xrf1) =	vunique.msk.u32 $0xffff, v1  }
0x29f: {  	v3 =	vld [tilespmem:s28+$0x0];
	_ =	sdelay $0x2  }
0x2a0: {  	_, v4, vm0 =	vpop (xrf1);
	_ =	sdelay $0x1  }
0x2a1: {  	(xrf1) =	vunique.msk.u32 $0xffff, v3;
	_ =	sdelay $0x3  }
0x2a2: {  	[tilespmem:v2+s12+$0x0] =	vst.idx.add.s32.msk vm0, v4  }
0x2a3: {  	v2 =	vld [tilespmem:s29+$0x10];
	_ =	sdelay $0x2  }
0x2a4: {  	_, v4, vm0 =	vpop (xrf1);
	_ =	sdelay $0x1  }
0x2a5: {  	s24 =	simm.s32 $0x180;
	(xrf1) =	vunique.msk.u32 $0xffff, v2  }
0x2a6: {  	v5 =	vld [tilespmem:s24+$0x0];
	_ =	sdelay $0x2  }
0x2a7: {  	[tilespmem:v1+s12+$0x0] =	vst.idx.add.s32.msk vm0, v4;
	_, v1, vm0 =	vpop (xrf1)  }
0x2a8: {  	v4 =	vld [tilespmem:s0+$0x20]  }
0x2a9: {  	(xrf1) =	vunique.msk.u32 $0xffff, v5;
	_ =	sdelay $0x3  }
0x2aa: {  	(xrf1) =	vunique.msk.u32 $0xffff, v4;
	[tilespmem:v3+s12+$0x0] =	vst.idx.add.s32.msk vm0, v1  }
0x2ab: {  	v1 =	vld [tilespmem:s28+$0x10];
	_ =	sdelay $0x2  }
0x2ac: {  	_, v3, vm0 =	vpop (xrf1);
	_ =	sdelay $0x1  }
0x2ad: {  	s23 =	simm.s32 $0x200;
	(xrf1) =	vunique.msk.u32 $0xffff, v1  }
0x2ae: {  	v6 =	vld [tilespmem:s23+$0x0];
	_ =	sdelay $0x2  }
0x2af: {  	_, v7, vm1 =	vpop (xrf1);
	[tilespmem:v2+s12+$0x0] =	vst.idx.add.s32.msk vm0, v3  }
0x2b0: {  	v2 =	vld [tilespmem:s29+$0x20]  }
0x2b1: {  	(xrf1) =	vunique.msk.u32 $0xffff, v6;
	_ =	sdelay $0x1  }
0x2b2: {  	_, v3, vm0 =	vpop (xrf1);
	_ =	sdelay $0x1  }
0x2b3: {  	[tilespmem:v5+s12+$0x0] =	vst.idx.add.s32.msk vm1, v7;
	(xrf1) =	vunique.msk.u32 $0xffff, v2  }
0x2b4: {  	v5 =	vld [tilespmem:s24+$0x10];
	_ =	sdelay $0x2  }
0x2b5: {  	[tilespmem:v4+s12+$0x0] =	vst.idx.add.s32.msk vm0, v3;
	_, v3, vm0 =	vpop (xrf1)  }
0x2b6: {  	v4 =	vld [tilespmem:s0+$0x30]  }
0x2b7: {  	s20 =	simm.s32 $0x280;
	(xrf1) =	vunique.msk.u32 $0xffff, v5  }
0x2b8: {  	v7 =	vld [tilespmem:s20+$0x0];
	_ =	sdelay $0x2  }
0x2b9: {  	_, v8, vm1 =	vpop (xrf1);
	(xrf1) =	vunique.msk.u32 $0xffff, v4;
	[tilespmem:v1+s12+$0x0] =	vst.idx.add.s32.msk vm0, v3  }
0x2ba: {  	v1 =	vld [tilespmem:s28+$0x20]  }
0x2bb: {  	(xrf1) =	vunique.msk.u32 $0xffff, v7;
	_ =	sdelay $0x1  }
0x2bc: {  	_, v3, vm0 =	vpop (xrf1);
	_ =	sdelay $0x1  }
0x2bd: {  	[tilespmem:v6+s12+$0x0] =	vst.idx.add.s32.msk vm1, v8;
	(xrf1) =	vunique.msk.u32 $0xffff, v1  }
0x2be: {  	v6 =	vld [tilespmem:s23+$0x10];
	_ =	sdelay $0x2  }
0x2bf: {  	_, v8, vm1 =	vpop (xrf1);
	[tilespmem:v2+s12+$0x0] =	vst.idx.add.s32.msk vm0, v3  }
0x2c0: {  	v2 =	vld [tilespmem:s29+$0x30]  }
0x2c1: {  	s18 =	simm.s32 $0x300;
	(xrf1) =	vunique.msk.u32 $0xffff, v6  }
0x2c2: {  	v3 =	vld [tilespmem:s18+$0x0]  }
0x2c3: {  	_, v9, vm0 =	vpop (xrf1);
	_ =	sdelay $0x1  }
0x2c4: {  	[tilespmem:v5+s12+$0x0] =	vst.idx.add.s32.msk vm1, v8;
	(xrf1) =	vunique.msk.u32 $0xffff, v2;
	_, v10, vm2 =	vpop (xrf1)  }
0x2c5: {  	v5 =	vld [tilespmem:s24+$0x20]  }
0x2c6: {  	(xrf1) =	vunique.msk.u32 $0xffff, v3;
	_ =	sdelay $0x1  }
0x2c7: {  	[tilespmem:v4+s12+$0x0] =	vst.idx.add.s32.msk vm0, v9;
	_, v4, vm0 =	vpop (xrf1)  }
0x2c8: {  	v8 =	vld [tilespmem:s0+$0x40]  }
0x2c9: {  	(xrf1) =	vunique.msk.u32 $0xffff, v5;
	[tilespmem:v7+s12+$0x0] =	vst.idx.add.s32.msk vm2, v10  }
0x2ca: {  	v7 =	vld [tilespmem:s20+$0x10];
	_ =	sdelay $0x2  }
0x2cb: {  	_, v9, vm1 =	vpop (xrf1);
	(xrf1) =	vunique.msk.u32 $0xffff, v8;
	[tilespmem:v1+s12+$0x0] =	vst.idx.add.s32.msk vm0, v4  }
0x2cc: {  	v1 =	vld [tilespmem:s28+$0x30]  }
0x2cd: {  	s21 =	simm.s32 $0x380;
	(xrf1) =	vunique.msk.u32 $0xffff, v7  }
0x2ce: {  	v4 =	vld [tilespmem:s21+$0x0]  }
0x2cf: {  	_, v10, vm0 =	vpop (xrf1);
	_ =	sdelay $0x1  }
0x2d0: {  	[tilespmem:v6+s12+$0x0] =	vst.idx.add.s32.msk vm1, v9;
	_, v6, vm1 =	vpop (xrf1);
	(xrf1) =	vunique.msk.u32 $0xffff, v1  }
0x2d1: {  	v9 =	vld [tilespmem:s23+$0x20]  }
0x2d2: {  	(xrf1) =	vunique.msk.u32 $0xffff, v4;
	_ =	sdelay $0x1  }
0x2d3: {  	_, v11, vm2 =	vpop (xrf1);
	[tilespmem:v2+s12+$0x0] =	vst.idx.add.s32.msk vm0, v10  }
0x2d4: {  	v2 =	vld [tilespmem:s29+$0x40]  }
0x2d5: {  	[tilespmem:v3+s12+$0x0] =	vst.idx.add.s32.msk vm1, v6;
	(xrf1) =	vunique.msk.u32 $0xffff, v9  }
0x2d6: {  	v3 =	vld [tilespmem:s18+$0x10]  }
0x2d7: {  	_, v6, vm0 =	vpop (xrf1);
	_ =	sdelay $0x1  }
0x2d8: {  	[tilespmem:v5+s12+$0x0] =	vst.idx.add.s32.msk vm2, v11;
	(xrf1) =	vunique.msk.u32 $0xffff, v2;
	_, v10, vm1 =	vpop (xrf1)  }
0x2d9: {  	v5 =	vld [tilespmem:s24+$0x30]  }
0x2da: {  	s19 =	simm.s32 $0x400;
	(xrf1) =	vunique.msk.u32 $0xffff, v3  }
0x2db: {  	v11 =	vld [tilespmem:s19+$0x0]  }
0x2dc: {  	[tilespmem:v8+s12+$0x0] =	vst.idx.add.s32.msk vm0, v6;
	_, v6, vm0 =	vpop (xrf1)  }
0x2dd: {  	v8 =	vld [tilespmem:s0+$0x50]  }
0x2de: {  	(xrf1) =	vunique.msk.u32 $0xffff, v5;
	[tilespmem:v7+s12+$0x0] =	vst.idx.add.s32.msk vm1, v10;
	_, v7, vm1 =	vpop (xrf1)  }
0x2df: {  	v10 =	vld [tilespmem:s20+$0x20]  }
0x2e0: {  	(xrf1) =	vunique.msk.u32 $0xffff, v11;
	_ =	sdelay $0x1  }
0x2e1: {  	_, v12, vm2 =	vpop (xrf1);
	(xrf1) =	vunique.msk.u32 $0xffff, v8;
	[tilespmem:v1+s12+$0x0] =	vst.idx.add.s32.msk vm0, v6  }
0x2e2: {  	v1 =	vld [tilespmem:s28+$0x40]  }
0x2e3: {  	(xrf1) =	vunique.msk.u32 $0xffff, v10;
	[tilespmem:v4+s12+$0x0] =	vst.idx.add.s32.msk vm1, v7  }
0x2e4: {  	v4 =	vld [tilespmem:s21+$0x10]  }
0x2e5: {  	_, v6, vm0 =	vpop (xrf1);
	_ =	sdelay $0x1  }
0x2e6: {  	[tilespmem:v9+s12+$0x0] =	vst.idx.add.s32.msk vm2, v12;
	_, v7, vm1 =	vpop (xrf1);
	(xrf1) =	vunique.msk.u32 $0xffff, v1  }
0x2e7: {  	v9 =	vld [tilespmem:s23+$0x30]  }
0x2e8: {  	s22 =	simm.s32 $0x480;
	(xrf1) =	vunique.msk.u32 $0xffff, v4  }
0x2e9: {  	v12 =	vld [tilespmem:s22+$0x0]  }
0x2ea: {  	_, v13, vm2 =	vpop (xrf1);
	[tilespmem:v2+s12+$0x0] =	vst.idx.add.s32.msk vm0, v6  }
0x2eb: {  	v2 =	vld [tilespmem:s29+$0x50]  }
0x2ec: {  	(xrf1) =	vunique.msk.u32 $0xffff, v9;
	[tilespmem:v3+s12+$0x0] =	vst.idx.add.s32.msk vm1, v7;
	_, v6, vm0 =	vpop (xrf1)  }
0x2ed: {  	v7 =	vld [tilespmem:s18+$0x20]  }
0x2ee: {  	(xrf1) =	vunique.msk.u32 $0xffff, v12;
	_, v3, vm1 =	vpop (xrf1);
	_ =	sdelay $0x1  }
0x2ef: {  	[tilespmem:v5+s12+$0x0] =	vst.idx.add.s32.msk vm2, v13;
	(xrf1) =	vunique.msk.u32 $0xffff, v2;
	_, v14, vm3 =	vpop (xrf1)  }
0x2f0: {  	v5 =	vld [tilespmem:s24+$0x40]  }
0x2f1: {  	[tilespmem:v11+s12+$0x0] =	vst.idx.add.s32.msk vm0, v6;
	(xrf1) =	vunique.msk.u32 $0xffff, v7  }
0x2f2: {  	v11 =	vld [tilespmem:s19+$0x10]  }
0x2f3: {  	[tilespmem:v8+s12+$0x0] =	vst.idx.add.s32.msk vm1, v3;
	_, v3, vm0 =	vpop (xrf1)  }
0x2f4: {  	v13 =	vld [tilespmem:s0+$0x60]  }
0x2f5: {  	(xrf1) =	vunique.msk.u32 $0xffff, v5;
	[tilespmem:v10+s12+$0x0] =	vst.idx.add.s32.msk vm3, v14;
	_, v6, vm1 =	vpop (xrf1)  }
0x2f6: {  	v10 =	vld [tilespmem:s20+$0x30]  }
0x2f7: {  	s25 =	simm.s32 $0x500;
	(xrf1) =	vunique.msk.u32 $0xffff, v11  }
0x2f8: {  	v14 =	vld [tilespmem:s25+$0x0]  }
0x2f9: {  	_, v8, vm2 =	vpop (xrf1);
	(xrf1) =	vunique.msk.u32 $0xffff, v13;
	[tilespmem:v1+s12+$0x0] =	vst.idx.add.s32.msk vm0, v3  }
0x2fa: {  	v15 =	vld [tilespmem:s28+$0x50]  }
0x2fb: {  	_, v1, vm0 =	vpop (xrf1);
	(xrf1) =	vunique.msk.u32 $0xffff, v10;
	[tilespmem:v4+s12+$0x0] =	vst.idx.add.s32.msk vm1, v6  }
0x2fc: {  	v16 =	vld [tilespmem:s21+$0x20]  }
0x2fd: {  	_, v4, vm1 =	vpop (xrf1);
	(xrf1) =	vunique.msk.u32 $0xffff, v14;
	_ =	sdelay $0x1  }
0x2fe: {  	[tilespmem:v9+s12+$0x0] =	vst.idx.add.s32.msk vm2, v8;
	_, v8, vm2 =	vpop (xrf1);
	(xrf1) =	vunique.msk.u32 $0xffff, v15  }
0x2ff: {  	v6 =	vld [tilespmem:s23+$0x40]  }
0x300: {  	[tilespmem:v12+s12+$0x0] =	vst.idx.add.s32.msk vm0, v1;
	(xrf1) =	vunique.msk.u32 $0xffff, v16  }
0x301: {  	v3 =	vld [tilespmem:s22+$0x10]  }
0x302: {  	_, v1, vm0 =	vpop (xrf1);
	[tilespmem:v2+s12+$0x0] =	vst.idx.add.s32.msk vm1, v4  }
0x303: {  	v2 =	vld [tilespmem:s29+$0x60]  }
0x304: {  	_, v9, vm1 =	vpop (xrf1);
	[tilespmem:v7+s12+$0x0] =	vst.idx.add.s32.msk vm2, v8;
	(xrf1) =	vunique.msk.u32 $0xffff, v6  }
0x305: {  	v4 =	vld [tilespmem:s18+$0x30]  }
0x306: {  	s26 =	simm.s32 $0x580;
	_, v12, vm2 =	vpop (xrf1);
	(xrf1) =	vunique.msk.u32 $0xffff, v3  }
0x307: {  	v8 =	vld [tilespmem:s26+$0x0]  }
0x308: {  	[tilespmem:v5+s12+$0x0] =	vst.idx.add.s32.msk vm0, v1;
	_, v17, vm3 =	vpop (xrf1);
	(xrf1) =	vunique.msk.u32 $0xffff, v2  }
0x309: {  	v7 =	vld [tilespmem:s24+$0x50]  }
0x30a: {  	[tilespmem:v11+s12+$0x0] =	vst.idx.add.s32.msk vm1, v9;
	_, v18, vm0 =	vpop (xrf1);
	(xrf1) =	vunique.msk.u32 $0xffff, v4  }
0x30b: {  	v5 =	vld [tilespmem:s19+$0x20]  }
0x30c: {  	(xrf1) =	vunique.msk.u32 $0xffff, v8;
	[tilespmem:v13+s12+$0x0] =	vst.idx.add.s32.msk vm2, v12;
	_, v11, vm1 =	vpop (xrf1)  }
0x30d: {  	v1 =	vld [tilespmem:s0+$0x70]  }
0x30e: {  	(xrf1) =	vunique.msk.u32 $0xffff, v7;
	[tilespmem:v10+s12+$0x0] =	vst.idx.add.s32.msk vm3, v17;
	_, v17, vm2 =	vpop (xrf1)  }
0x30f: {  	v9 =	vld [tilespmem:s20+$0x40]  }
0x310: {  	(xrf1) =	vunique.msk.u32 $0xffff, v5;
	[tilespmem:v14+s12+$0x0] =	vst.idx.add.s32.msk vm0, v18  }
0x311: {  	v10 =	vld [tilespmem:s25+$0x10]  }
0x312: {  	[tilespmem:v15+s12+$0x0] =	vst.idx.add.s32.msk vm1, v11;
	_, v14, vm1 =	vpop (xrf1);
	(xrf1) =	vunique.msk.u32 $0xffff, v1  }
0x313: {  	v12 =	vld [tilespmem:s28+$0x60]  }
0x314: {  	[tilespmem:v16+s12+$0x0] =	vst.idx.add.s32.msk vm2, v17;
	(xrf1) =	vunique.msk.u32 $0xffff, v9;
	_, v13, vm0 =	vpop (xrf1)  }
0x315: {  	v11 =	vld [tilespmem:s21+$0x30]  }
0x316: {  	s2 =	simm.s32 $0x1A00;
	s0 =	simm.s32 $0x600;
	(xrf1) =	vunique.msk.u32 $0xffff, v10;
	_, v15, vm2 =	vpop (xrf1)  }
.LBB2_10:
0x317: {  	p0 =	sne.s32 s2, $0xFE00;
	v16 =	vld [tilespmem:s0+$0x0]  }
0x318: {  	_, v17, vm3 =	vpop (xrf1);
	[tilespmem:v6+s12+$0x0] =	vst.idx.add.s32.msk vm1, v14;
	(xrf1) =	vunique.msk.u32 $0xffff, v12;
	v6 =	vmov v9  }
0x319: {  	v18 =	vld [tilespmem:s23+$0x50]  }
0x31a: {  	_, v14, vm1 =	vpop (xrf1);
	[tilespmem:v3+s12+$0x0] =	vst.idx.add.s32.msk vm0, v13;
	(xrf1) =	vunique.msk.u32 $0xffff, v11;
	v3 =	vmov v10  }
0x31b: {  	v19 =	vld [tilespmem:s22+$0x20]  }
0x31c: {  	(xrf1) =	vunique.msk.u32 $0xffff, v16;
	_, v13, vm0 =	vpop (xrf1);
	[tilespmem:v2+s12+$0x0] =	vst.idx.add.s32.msk vm2, v15;
	v2 =	vmov v12  }
0x31d: {  	v20 =	vld [tilespmem:s29+$0x70];
	s29 =	smov.u32 s28;
	s28 =	smov.u32 s24;
	s24 =	smov.u32 s23  }
0x31e: {  	s23 =	smov.u32 s20;
	s20 =	smov.u32 s18;
	s18 =	smov.u32 s21;
	_, v15, vm2 =	vpop (xrf1);
	[tilespmem:v4+s12+$0x0] =	vst.idx.add.s32.msk vm3, v17;
	(xrf1) =	vunique.msk.u32 $0xffff, v18;
	v4 =	vmov v11  }
0x31f: {  	s21 =	smov.u32 s19;
	s19 =	smov.u32 s22;
	s22 =	smov.u32 s25;
	v9 =	vld [tilespmem:s20+$0x40]  }
0x320: {  	s25 =	smov.u32 s26;
	s26 =	smov.u32 s0;
	[tilespmem:v8+s12+$0x0] =	vst.idx.add.s32.msk vm1, v14;
	(xrf1) =	vunique.msk.u32 $0xffff, v19;
	_, v17, vm3 =	vpop (xrf1);
	v8 =	vmov v16  }
0x321: {  	v10 =	vld [tilespmem:s25+$0x10]  }
.Ltmp4:
0x322: {  	_, v14, vm1 =	vpop (xrf1);
	[tilespmem:v7+s12+$0x0] =	vst.idx.add.s32.msk vm0, v13;
	(xrf1) =	vunique.msk.u32 $0xffff, v20;
	v7 =	vmov v18;
	(pc) =	sbr.rel @p0 .LBB2_10-.Ltmp4, $4  }
0x323: {  	v12 =	vld [tilespmem:s28+$0x60]  }
0x324: {  	_, v13, vm0 =	vpop (xrf1);
	[tilespmem:v5+s12+$0x0] =	vst.idx.add.s32.msk vm2, v15;
	(xrf1) =	vunique.msk.u32 $0xffff, v9;
	v5 =	vmov v19  }
0x325: {  	v11 =	vld [tilespmem:s21+$0x30]  }
0x326: {  	s0 =	sshra.s32 s2, $0x2;
	s2 =	sadd.s32 $0x200, s2;
	(xrf1) =	vunique.msk.u32 $0xffff, v10;
	_, v15, vm2 =	vpop (xrf1);
	[tilespmem:v1+s12+$0x0] =	vst.idx.add.s32.msk vm3, v17;
	v1 =	vmov v20  }
0x327: {  	_ =	sdelay $0x1  }
0x328: {  	v16 =	vld [tilespmem:s0+$0x0]  }
0x329: {  	(xrf1) =	vunique.msk.u32 $0xffff, v12;
	_ =	sdelay $0x1  }
0x32a: {  	[tilespmem:v6+s12+$0x0] =	vst.idx.add.s32.msk vm1, v14;
	_, v17, vm3 =	vpop (xrf1);
	(xrf1) =	vunique.msk.u32 $0xffff, v11  }
0x32b: {  	[tilespmem:v3+s12+$0x0] =	vst.idx.add.s32.msk vm0, v13  }
0x32c: {  	[tilespmem:v2+s12+$0x0] =	vst.idx.add.s32.msk vm2, v15;
	_, v14, vm1 =	vpop (xrf1);
	(xrf1) =	vunique.msk.u32 $0xffff, v16  }
0x32d: {  	v6 =	vld [tilespmem:s23+$0x50]  }
0x32e: {  	v13 =	vld [tilespmem:s22+$0x20];
	_, v18, vm4 =	vpop (xrf1)  }
0x32f: {  	v2 =	vld [tilespmem:s29+$0x70]  }
0x330: {  	_, v15, vm2 =	vpop (xrf1);
	[tilespmem:v4+s12+$0x0] =	vst.idx.add.s32.msk vm3, v17  }
0x331: {  	v17 =	vld [tilespmem:s18+$0x40];
	_, v3, vm0 =	vpop (xrf1)  }
0x332: {  	[tilespmem:v8+s12+$0x0] =	vst.idx.add.s32.msk vm1, v14;
	_, v4, vm1 =	vpop (xrf1)  }
0x333: {  	v8 =	vld [tilespmem:s26+$0x10]  }
0x334: {  	(xrf1) =	vunique.msk.u32 $0xffff, v6;
	[tilespmem:v7+s12+$0x0] =	vst.idx.add.s32.msk vm4, v18;
	_, v7, vm3 =	vpop (xrf1)  }
0x335: {  	v14 =	vld [tilespmem:s24+$0x60]  }
0x336: {  	(xrf1) =	vunique.msk.u32 $0xffff, v13;
	[tilespmem:v5+s12+$0x0] =	vst.idx.add.s32.msk vm2, v15;
	_, v5, vm2 =	vpop (xrf1)  }
0x337: {  	(xrf1) =	vunique.msk.u32 $0xffff, v2;
	v15 =	vld [tilespmem:s19+$0x30]  }
0x338: {  	(xrf1) =	vunique.msk.u32 $0xffff, v17;
	_, v18, vm4 =	vpop (xrf1);
	[tilespmem:v9+s12+$0x0] =	vst.idx.add.s32.msk vm1, v4  }
0x339: {  	v9 =	vld [tilespmem:s20+$0x50]  }
0x33a: {  	(xrf1) =	vunique.msk.u32 $0xffff, v8;
	_, v19, vm1 =	vpop (xrf1);
	[tilespmem:v10+s12+$0x0] =	vst.idx.add.s32.msk vm3, v7  }
0x33b: {  	v10 =	vld [tilespmem:s25+$0x20]  }
0x33c: {  	(xrf1) =	vunique.msk.u32 $0xffff, v14;
	[tilespmem:v12+s12+$0x0] =	vst.idx.add.s32.msk vm2, v5  }
0x33d: {  	v4 =	vld [tilespmem:s28+$0x70]  }
0x33e: {  	(xrf1) =	vunique.msk.u32 $0xffff, v15;
	[tilespmem:v11+s12+$0x0] =	vst.idx.add.s32.msk vm4, v18  }
0x33f: {  	v11 =	vld [tilespmem:s21+$0x40]  }
0x340: {  	(xrf1) =	vunique.msk.u32 $0xffff, v9;
	[tilespmem:v16+s12+$0x0] =	vst.idx.add.s32.msk vm1, v19  }
0x341: {  	v12 =	vld [tilespmem:s0+$0x10]  }
0x342: {  	_, v7, vm2 =	vpop (xrf1);
	(xrf1) =	vunique.msk.u32 $0xffff, v10  }
0x343: {  	(xrf1) =	vunique.msk.u32 $0xffff, v4  }
0x344: {  	_, v16, vm3 =	vpop (xrf1);
	(xrf1) =	vunique.msk.u32 $0xffff, v11  }
0x345: {  	_, v5, vm1 =	vpop (xrf1)  }
0x346: {  	_, v18, vm4 =	vpop (xrf1);
	(xrf1) =	vunique.msk.u32 $0xffff, v12;
	_ =	sdelay $0x1  }
0x347: {  	[tilespmem:v6+s12+$0x0] =	vst.idx.add.s32.msk vm2, v7;
	_, v6, vm2 =	vpop (xrf1)  }
0x348: {  	v57 =	vld [tilespmem:s23+$0x60]  }
0x349: {  	[tilespmem:v13+s12+$0x0] =	vst.idx.add.s32.msk vm3, v16;
	_, v7, vm3 =	vpop (xrf1)  }
0x34a: {  	v13 =	vld [tilespmem:s22+$0x30]  }
0x34b: {  	_, v16, vm5 =	vpop (xrf1);
	[tilespmem:v17+s12+$0x0] =	vst.idx.add.s32.msk vm4, v18  }
0x34c: {  	v17 =	vld [tilespmem:s18+$0x50]  }
0x34d: {  	[tilespmem:v8+s12+$0x0] =	vst.idx.add.s32.msk vm2, v6;
	_, v8, vm12 =	vpop (xrf1)  }
0x34e: {  	v58 =	vld [tilespmem:s26+$0x20]  }
0x34f: {  	(xrf1) =	vunique.msk.u32 $0xffff, v57;
	[tilespmem:v14+s12+$0x0] =	vst.idx.add.s32.msk vm3, v7;
	_, v14, vm3 =	vpop (xrf1)  }
0x350: {  	v6 =	vld [tilespmem:s24+$0x70];
	_, v7, vm2 =	vpop (xrf1)  }
0x351: {  	(xrf1) =	vunique.msk.u32 $0xffff, v13;
	[tilespmem:v15+s12+$0x0] =	vst.idx.add.s32.msk vm5, v16;
	_, v15, vm5 =	vpop (xrf1)  }
0x352: {  	v16 =	vld [tilespmem:s19+$0x40]  }
0x353: {  	(xrf1) =	vunique.msk.u32 $0xffff, v17;
	[tilespmem:v9+s12+$0x0] =	vst.idx.add.s32.msk vm12, v8;
	_, v8, vm4 =	vpop (xrf1)  }
0x354: {  	v9 =	vld [tilespmem:s20+$0x60]  }
0x355: {  	(xrf1) =	vunique.msk.u32 $0xffff, v58;
	[tilespmem:v10+s12+$0x0] =	vst.idx.add.s32.msk vm3, v14  }
0x356: {  	(xrf1) =	vunique.msk.u32 $0xffff, v6;
	v10 =	vld [tilespmem:s25+$0x30]  }
0x357: {  	(xrf1) =	vunique.msk.u32 $0xffff, v16;
	[tilespmem:v11+s12+$0x0] =	vst.idx.add.s32.msk vm5, v15  }
0x358: {  	v11 =	vld [tilespmem:s21+$0x50]  }
0x359: {  	(xrf1) =	vunique.msk.u32 $0xffff, v9;
	[tilespmem:v12+s12+$0x0] =	vst.idx.add.s32.msk vm4, v8  }
0x35a: {  	v8 =	vld [tilespmem:s0+$0x20]  }
0x35b: {  	(xrf1) =	vunique.msk.u32 $0xffff, v10;
	_ =	sdelay $0x1  }
0x35c: {  	_, v12, vm3 =	vpop (xrf1);
	(xrf1) =	vunique.msk.u32 $0xffff, v11;
	_ =	sdelay $0x1  }
0x35d: {  	_, v14, vm13 =	vpop (xrf1);
	(xrf1) =	vunique.msk.u32 $0xffff, v8;
	_ =	sdelay $0x1  }
0x35e: {  	_, v15, vm5 =	vpop (xrf1);
	_ =	sdelay $0x1  }
0x35f: {  	[tilespmem:v57+s12+$0x0] =	vst.idx.add.s32.msk vm3, v12;
	_, v12, vm6 =	vpop (xrf1)  }
0x360: {  	v19 =	vld [tilespmem:s23+$0x70];
	_, v20, vm3 =	vpop (xrf1)  }
0x361: {  	[tilespmem:v13+s12+$0x0] =	vst.idx.add.s32.msk vm13, v14;
	_, v13, vm4 =	vpop (xrf1)  }
0x362: {  	v14 =	vld [tilespmem:s22+$0x40]  }
0x363: {  	[tilespmem:v17+s12+$0x0] =	vst.idx.add.s32.msk vm5, v15;
	_, v15, vm5 =	vpop (xrf1)  }
0x364: {  	v17 =	vld [tilespmem:s18+$0x60]  }
0x365: {  	[tilespmem:v58+s12+$0x0] =	vst.idx.add.s32.msk vm6, v12;
	_, v12, vm6 =	vpop (xrf1)  }
0x366: {  	v18 =	vld [tilespmem:s26+$0x30]  }
0x367: {  	[tilespmem:v16+s12+$0x0] =	vst.idx.add.s32.msk vm4, v13;
	_, v13, vm4 =	vpop (xrf1)  }
0x368: {  	(xrf1) =	vunique.msk.u32 $0xffff, v19;
	v16 =	vld [tilespmem:s19+$0x50]  }
0x369: {  	(xrf1) =	vunique.msk.u32 $0xffff, v14;
	[tilespmem:v9+s12+$0x0] =	vst.idx.add.s32.msk vm5, v15;
	_, v9, vm5 =	vpop (xrf1)  }
0x36a: {  	v15 =	vld [tilespmem:s20+$0x70]  }
0x36b: {  	(xrf1) =	vunique.msk.u32 $0xffff, v17;
	[tilespmem:v10+s12+$0x0] =	vst.idx.add.s32.msk vm6, v12  }
0x36c: {  	v10 =	vld [tilespmem:s25+$0x40]  }
0x36d: {  	(xrf1) =	vunique.msk.u32 $0xffff, v18;
	[tilespmem:v11+s12+$0x0] =	vst.idx.add.s32.msk vm4, v13  }
0x36e: {  	v11 =	vld [tilespmem:s21+$0x60]  }
0x36f: {  	(xrf1) =	vunique.msk.u32 $0xffff, v16;
	[tilespmem:v8+s12+$0x0] =	vst.idx.add.s32.msk vm5, v9  }
0x370: {  	(xrf1) =	vunique.msk.u32 $0xffff, v15;
	v8 =	vld [tilespmem:s0+$0x30]  }
0x371: {  	(xrf1) =	vunique.msk.u32 $0xffff, v10;
	_ =	sdelay $0x1  }
0x372: {  	(xrf1) =	vunique.msk.u32 $0xffff, v11;
	_ =	sdelay $0x1  }
0x373: {  	(xrf1) =	vunique.msk.u32 $0xffff, v8  }
0x374: {  	_, v9, vm4 =	vpop (xrf1)  }
0x375: {  	_, v12, vm14 =	vpop (xrf1);
	_ =	sdelay $0x1  }
0x376: {  	_, v13, vm15 =	vpop (xrf1);
	_ =	sdelay $0x1  }
0x377: {  	_, v21, vm7 =	vpop (xrf1);
	_ =	sdelay $0x1  }
0x378: {  	[tilespmem:v14+s12+$0x0] =	vst.idx.add.s32.msk vm14, v12;
	_, v12, vm8 =	vpop (xrf1)  }
0x379: {  	v14 =	vld [tilespmem:s22+$0x50];
	_, v22, vm5 =	vpop (xrf1)  }
0x37a: {  	[tilespmem:v17+s12+$0x0] =	vst.idx.add.s32.msk vm15, v13;
	_, v13, vm6 =	vpop (xrf1)  }
0x37b: {  	v17 =	vld [tilespmem:s18+$0x70]  }
0x37c: {  	[tilespmem:v18+s12+$0x0] =	vst.idx.add.s32.msk vm7, v21;
	_, v18, vm7 =	vpop (xrf1)  }
0x37d: {  	v21 =	vld [tilespmem:s26+$0x40]  }
0x37e: {  	[tilespmem:v16+s12+$0x0] =	vst.idx.add.s32.msk vm8, v12;
	_, v12, vm8 =	vpop (xrf1)  }
0x37f: {  	v16 =	vld [tilespmem:s19+$0x60]  }
0x380: {  	[tilespmem:v10+s12+$0x0] =	vst.idx.add.s32.msk vm6, v13  }
0x381: {  	v10 =	vld [tilespmem:s25+$0x50]  }
0x382: {  	(xrf1) =	vunique.msk.u32 $0xffff, v14;
	[tilespmem:v11+s12+$0x0] =	vst.idx.add.s32.msk vm7, v18  }
0x383: {  	(xrf1) =	vunique.msk.u32 $0xffff, v17;
	v11 =	vld [tilespmem:s21+$0x70]  }
0x384: {  	(xrf1) =	vunique.msk.u32 $0xffff, v21;
	[tilespmem:v8+s12+$0x0] =	vst.idx.add.s32.msk vm8, v12  }
0x385: {  	v8 =	vld [tilespmem:s0+$0x40]  }
0x386: {  	(xrf1) =	vunique.msk.u32 $0xffff, v16;
	_ =	sdelay $0x1  }
0x387: {  	(xrf1) =	vunique.msk.u32 $0xffff, v10  }
0x388: {  	(xrf1) =	vunique.msk.u32 $0xffff, v11  }
0x389: {  	(xrf1) =	vunique.msk.u32 $0xffff, v8;
	_ =	sdelay $0x5  }
0x38a: {  	_, v12, vm12 =	vpop (xrf1)  }
0x38b: {  	_, v13, vm6 =	vpop (xrf1)  }
0x38c: {  	_, v59, vm13 =	vpop (xrf1);
	_ =	sdelay $0x1  }
0x38d: {  	_, v23, vm9 =	vpop (xrf1);
	_ =	sdelay $0x1  }
0x38e: {  	[tilespmem:v14+s12+$0x0] =	vst.idx.add.s32.msk vm12, v12;
	_, v12, vm10 =	vpop (xrf1)  }
0x38f: {  	v14 =	vld [tilespmem:s22+$0x60];
	_, v24, vm7 =	vpop (xrf1)  }
0x390: {  	[tilespmem:v21+s12+$0x0] =	vst.idx.add.s32.msk vm13, v59;
	_, v18, vm8 =	vpop (xrf1)  }
0x391: {  	v21 =	vld [tilespmem:s26+$0x50]  }
0x392: {  	[tilespmem:v16+s12+$0x0] =	vst.idx.add.s32.msk vm9, v23  }
0x393: {  	v16 =	vld [tilespmem:s19+$0x70]  }
0x394: {  	[tilespmem:v10+s12+$0x0] =	vst.idx.add.s32.msk vm10, v12  }
0x395: {  	v10 =	vld [tilespmem:s25+$0x60]  }
0x396: {  	(xrf1) =	vunique.msk.u32 $0xffff, v14;
	[tilespmem:v8+s12+$0x0] =	vst.idx.add.s32.msk vm8, v18  }
0x397: {  	v8 =	vld [tilespmem:s0+$0x50]  }
0x398: {  	(xrf1) =	vunique.msk.u32 $0xffff, v21  }
0x399: {  	(xrf1) =	vunique.msk.u32 $0xffff, v16  }
0x39a: {  	(xrf1) =	vunique.msk.u32 $0xffff, v10;
	_ =	sdelay $0x1  }
0x39b: {  	(xrf1) =	vunique.msk.u32 $0xffff, v8;
	_ =	sdelay $0x7  }
0x39c: {  	_, v12, vm14 =	vpop (xrf1);
	_ =	sdelay $0x1  }
0x39d: {  	_, v60, vm15 =	vpop (xrf1)  }
0x39e: {  	_, v61, vm8 =	vpop (xrf1)  }
0x39f: {  	_, v25, vm11 =	vpop (xrf1);
	_ =	sdelay $0x1  }
0x3a0: {  	[tilespmem:v14+s12+$0x0] =	vst.idx.add.s32.msk vm14, v12;
	_, v12, vm9 =	vpop (xrf1)  }
0x3a1: {  	v14 =	vld [tilespmem:s22+$0x70]  }
0x3a2: {  	[tilespmem:v21+s12+$0x0] =	vst.idx.add.s32.msk vm15, v60  }
0x3a3: {  	v18 =	vld [tilespmem:s26+$0x60]  }
0x3a4: {  	[tilespmem:v10+s12+$0x0] =	vst.idx.add.s32.msk vm11, v25  }
0x3a5: {  	v10 =	vld [tilespmem:s25+$0x70]  }
0x3a6: {  	[tilespmem:v8+s12+$0x0] =	vst.idx.add.s32.msk vm9, v12  }
0x3a7: {  	v8 =	vld [tilespmem:s0+$0x60];
	_ =	sdelay $0x1  }
0x3a8: {  	(xrf1) =	vunique.msk.u32 $0xffff, v14  }
0x3a9: {  	(xrf1) =	vunique.msk.u32 $0xffff, v18  }
0x3aa: {  	(xrf1) =	vunique.msk.u32 $0xffff, v10  }
0x3ab: {  	(xrf1) =	vunique.msk.u32 $0xffff, v8;
	_ =	sdelay $0xa  }
0x3ac: {  	_, v12, vm9 =	vpop (xrf1)  }
0x3ad: {  	_, v21, vm10 =	vpop (xrf1)  }
0x3ae: {  	_, v25, vm11 =	vpop (xrf1)  }
0x3af: {  	_, v26, vm12 =	vpop (xrf1);
	_ =	sdelay $0x4  }
0x3b0: {  	[tilespmem:v18+s12+$0x0] =	vst.idx.add.s32.msk vm10, v21  }
0x3b1: {  	[tilespmem:v8+s12+$0x0] =	vst.idx.add.s32.msk vm12, v26  }
0x3b2: {  	v8 =	vld [tilespmem:s26+$0x70]  }
0x3b3: {  	v62 =	vld [tilespmem:s0+$0x70];
	_ =	sdelay $0x3  }
0x3b4: {  	(xrf1) =	vunique.msk.u32 $0xffff, v8  }
0x3b5: {  	(xrf1) =	vunique.msk.u32 $0xffff, v62;
	_ =	sdelay $0x7  }
0x3b6: {  	[tilespmem:v1+s12+$0x0] =	vst.idx.add.s32.msk vm0, v3  }
0x3b7: {  	[tilespmem:v2+s12+$0x0] =	vst.idx.add.s32.msk vm1, v5  }
0x3b8: {  	[tilespmem:v4+s12+$0x0] =	vst.idx.add.s32.msk vm2, v7  }
0x3b9: {  	[tilespmem:v6+s12+$0x0] =	vst.idx.add.s32.msk vm3, v20  }
0x3ba: {  	[tilespmem:v19+s12+$0x0] =	vst.idx.add.s32.msk vm4, v9  }
0x3bb: {  	[tilespmem:v15+s12+$0x0] =	vst.idx.add.s32.msk vm5, v22;
	_, v1, vm0 =	vpop (xrf1)  }
0x3bc: {  	[tilespmem:v17+s12+$0x0] =	vst.idx.add.s32.msk vm6, v13;
	_, v2, vm1 =	vpop (xrf1)  }
0x3bd: {  	[tilespmem:v11+s12+$0x0] =	vst.idx.add.s32.msk vm7, v24  }
0x3be: {  	[tilespmem:v16+s12+$0x0] =	vst.idx.add.s32.msk vm8, v61  }
0x3bf: {  	[tilespmem:v14+s12+$0x0] =	vst.idx.add.s32.msk vm9, v12  }
0x3c0: {  	[tilespmem:v10+s12+$0x0] =	vst.idx.add.s32.msk vm11, v25  }
0x3c1: {  	[tilespmem:v8+s12+$0x0] =	vst.idx.add.s32.msk vm0, v1  }
0x3c2: {  	[tilespmem:v62+s12+$0x0] =	vst.idx.add.s32.msk vm1, v2  }
0x3c3: {  	_ =	swait.ge [sflag:s13], $0x4000  }
0x3c4: {  	[sflag:s13] =	ssyncset.done $0x0  }
0x3c5: {  	s31 =	simm.s32 $0x0;
	[sflag:s13] =	ssyncadd.s32 $0xFFFFC000  }
0x3c6: {  	v1 =	vld [tilespmem:s31+$0x4000];
	_ =	sdelay $0x4  }
0x3c7: {  	(xrf1) =	vunique.msk.u32 $0xffff, v1;
	_ =	sdelay $0x9  }
0x3c8: {  	s29 =	simm.s32 $0x80  }
0x3c9: {  	v2 =	vld [tilespmem:s29+$0x4000];
	_ =	sdelay $0x2  }
0x3ca: {  	_, v3, vm0 =	vpop (xrf1);
	_ =	sdelay $0x1  }
0x3cb: {  	(xrf1) =	vunique.msk.u32 $0xffff, v2;
	_ =	sdelay $0x3  }
0x3cc: {  	[tilespmem:v1+s12+$0x0] =	vst.idx.add.s32.msk vm0, v3  }
0x3cd: {  	v1 =	vld [tilespmem:s31+$0x4010];
	_ =	sdelay $0x4  }
0x3ce: {  	s28 =	simm.s32 $0x100;
	(xrf1) =	vunique.msk.u32 $0xffff, v1  }
0x3cf: {  	v3 =	vld [tilespmem:s28+$0x4000];
	_ =	sdelay $0x2  }
0x3d0: {  	_, v4, vm0 =	vpop (xrf1);
	_ =	sdelay $0x1  }
0x3d1: {  	(xrf1) =	vunique.msk.u32 $0xffff, v3;
	_ =	sdelay $0x3  }
0x3d2: {  	[tilespmem:v2+s12+$0x0] =	vst.idx.add.s32.msk vm0, v4  }
0x3d3: {  	v2 =	vld [tilespmem:s29+$0x4010];
	_ =	sdelay $0x2  }
0x3d4: {  	_, v4, vm0 =	vpop (xrf1);
	_ =	sdelay $0x1  }
0x3d5: {  	s24 =	simm.s32 $0x180;
	(xrf1) =	vunique.msk.u32 $0xffff, v2  }
0x3d6: {  	v5 =	vld [tilespmem:s24+$0x4000];
	_ =	sdelay $0x2  }
0x3d7: {  	[tilespmem:v1+s12+$0x0] =	vst.idx.add.s32.msk vm0, v4;
	_, v1, vm0 =	vpop (xrf1)  }
0x3d8: {  	v4 =	vld [tilespmem:s31+$0x4020]  }
0x3d9: {  	(xrf1) =	vunique.msk.u32 $0xffff, v5;
	_ =	sdelay $0x3  }
0x3da: {  	(xrf1) =	vunique.msk.u32 $0xffff, v4;
	[tilespmem:v3+s12+$0x0] =	vst.idx.add.s32.msk vm0, v1  }
0x3db: {  	v1 =	vld [tilespmem:s28+$0x4010];
	_ =	sdelay $0x2  }
0x3dc: {  	_, v3, vm0 =	vpop (xrf1);
	_ =	sdelay $0x1  }
0x3dd: {  	s23 =	simm.s32 $0x200;
	(xrf1) =	vunique.msk.u32 $0xffff, v1  }
0x3de: {  	v6 =	vld [tilespmem:s23+$0x4000];
	_ =	sdelay $0x2  }
0x3df: {  	_, v7, vm1 =	vpop (xrf1);
	[tilespmem:v2+s12+$0x0] =	vst.idx.add.s32.msk vm0, v3  }
0x3e0: {  	v2 =	vld [tilespmem:s29+$0x4020]  }
0x3e1: {  	(xrf1) =	vunique.msk.u32 $0xffff, v6;
	_ =	sdelay $0x1  }
0x3e2: {  	_, v3, vm0 =	vpop (xrf1);
	_ =	sdelay $0x1  }
0x3e3: {  	[tilespmem:v5+s12+$0x0] =	vst.idx.add.s32.msk vm1, v7;
	(xrf1) =	vunique.msk.u32 $0xffff, v2  }
0x3e4: {  	v5 =	vld [tilespmem:s24+$0x4010];
	_ =	sdelay $0x2  }
0x3e5: {  	[tilespmem:v4+s12+$0x0] =	vst.idx.add.s32.msk vm0, v3;
	_, v3, vm0 =	vpop (xrf1)  }
0x3e6: {  	v4 =	vld [tilespmem:s31+$0x4030]  }
0x3e7: {  	s20 =	simm.s32 $0x280;
	(xrf1) =	vunique.msk.u32 $0xffff, v5  }
0x3e8: {  	v7 =	vld [tilespmem:s20+$0x4000];
	_ =	sdelay $0x2  }
0x3e9: {  	_, v8, vm1 =	vpop (xrf1);
	(xrf1) =	vunique.msk.u32 $0xffff, v4;
	[tilespmem:v1+s12+$0x0] =	vst.idx.add.s32.msk vm0, v3  }
0x3ea: {  	v1 =	vld [tilespmem:s28+$0x4020]  }
0x3eb: {  	(xrf1) =	vunique.msk.u32 $0xffff, v7;
	_ =	sdelay $0x1  }
0x3ec: {  	_, v3, vm0 =	vpop (xrf1);
	_ =	sdelay $0x1  }
0x3ed: {  	[tilespmem:v6+s12+$0x0] =	vst.idx.add.s32.msk vm1, v8;
	(xrf1) =	vunique.msk.u32 $0xffff, v1  }
0x3ee: {  	v6 =	vld [tilespmem:s23+$0x4010];
	_ =	sdelay $0x2  }
0x3ef: {  	_, v8, vm1 =	vpop (xrf1);
	[tilespmem:v2+s12+$0x0] =	vst.idx.add.s32.msk vm0, v3  }
0x3f0: {  	v2 =	vld [tilespmem:s29+$0x4030]  }
0x3f1: {  	s18 =	simm.s32 $0x300;
	(xrf1) =	vunique.msk.u32 $0xffff, v6  }
0x3f2: {  	v3 =	vld [tilespmem:s18+$0x4000]  }
0x3f3: {  	_, v9, vm0 =	vpop (xrf1);
	_ =	sdelay $0x1  }
0x3f4: {  	[tilespmem:v5+s12+$0x0] =	vst.idx.add.s32.msk vm1, v8;
	(xrf1) =	vunique.msk.u32 $0xffff, v2;
	_, v10, vm2 =	vpop (xrf1)  }
0x3f5: {  	v5 =	vld [tilespmem:s24+$0x4020]  }
0x3f6: {  	(xrf1) =	vunique.msk.u32 $0xffff, v3;
	_ =	sdelay $0x1  }
0x3f7: {  	[tilespmem:v4+s12+$0x0] =	vst.idx.add.s32.msk vm0, v9;
	_, v4, vm0 =	vpop (xrf1)  }
0x3f8: {  	v8 =	vld [tilespmem:s31+$0x4040]  }
0x3f9: {  	(xrf1) =	vunique.msk.u32 $0xffff, v5;
	[tilespmem:v7+s12+$0x0] =	vst.idx.add.s32.msk vm2, v10  }
0x3fa: {  	v7 =	vld [tilespmem:s20+$0x4010];
	_ =	sdelay $0x2  }
0x3fb: {  	_, v9, vm1 =	vpop (xrf1);
	(xrf1) =	vunique.msk.u32 $0xffff, v8;
	[tilespmem:v1+s12+$0x0] =	vst.idx.add.s32.msk vm0, v4  }
0x3fc: {  	v1 =	vld [tilespmem:s28+$0x4030]  }
0x3fd: {  	s21 =	simm.s32 $0x380;
	(xrf1) =	vunique.msk.u32 $0xffff, v7  }
0x3fe: {  	v4 =	vld [tilespmem:s21+$0x4000]  }
0x3ff: {  	_, v10, vm0 =	vpop (xrf1);
	_ =	sdelay $0x1  }
0x400: {  	[tilespmem:v6+s12+$0x0] =	vst.idx.add.s32.msk vm1, v9;
	_, v6, vm1 =	vpop (xrf1);
	(xrf1) =	vunique.msk.u32 $0xffff, v1  }
0x401: {  	v9 =	vld [tilespmem:s23+$0x4020]  }
0x402: {  	(xrf1) =	vunique.msk.u32 $0xffff, v4;
	_ =	sdelay $0x1  }
0x403: {  	_, v11, vm2 =	vpop (xrf1);
	[tilespmem:v2+s12+$0x0] =	vst.idx.add.s32.msk vm0, v10  }
0x404: {  	v2 =	vld [tilespmem:s29+$0x4040]  }
0x405: {  	[tilespmem:v3+s12+$0x0] =	vst.idx.add.s32.msk vm1, v6;
	(xrf1) =	vunique.msk.u32 $0xffff, v9  }
0x406: {  	v3 =	vld [tilespmem:s18+$0x4010]  }
0x407: {  	_, v6, vm0 =	vpop (xrf1);
	_ =	sdelay $0x1  }
0x408: {  	[tilespmem:v5+s12+$0x0] =	vst.idx.add.s32.msk vm2, v11;
	(xrf1) =	vunique.msk.u32 $0xffff, v2;
	_, v10, vm1 =	vpop (xrf1)  }
0x409: {  	v5 =	vld [tilespmem:s24+$0x4030]  }
0x40a: {  	s19 =	simm.s32 $0x400;
	(xrf1) =	vunique.msk.u32 $0xffff, v3  }
0x40b: {  	v11 =	vld [tilespmem:s19+$0x4000]  }
0x40c: {  	[tilespmem:v8+s12+$0x0] =	vst.idx.add.s32.msk vm0, v6;
	_, v6, vm0 =	vpop (xrf1)  }
0x40d: {  	v8 =	vld [tilespmem:s31+$0x4050]  }
0x40e: {  	(xrf1) =	vunique.msk.u32 $0xffff, v5;
	[tilespmem:v7+s12+$0x0] =	vst.idx.add.s32.msk vm1, v10;
	_, v7, vm1 =	vpop (xrf1)  }
0x40f: {  	v10 =	vld [tilespmem:s20+$0x4020]  }
0x410: {  	(xrf1) =	vunique.msk.u32 $0xffff, v11;
	_ =	sdelay $0x1  }
0x411: {  	_, v12, vm2 =	vpop (xrf1);
	(xrf1) =	vunique.msk.u32 $0xffff, v8;
	[tilespmem:v1+s12+$0x0] =	vst.idx.add.s32.msk vm0, v6  }
0x412: {  	v1 =	vld [tilespmem:s28+$0x4040]  }
0x413: {  	(xrf1) =	vunique.msk.u32 $0xffff, v10;
	[tilespmem:v4+s12+$0x0] =	vst.idx.add.s32.msk vm1, v7  }
0x414: {  	v4 =	vld [tilespmem:s21+$0x4010]  }
0x415: {  	_, v6, vm0 =	vpop (xrf1);
	_ =	sdelay $0x1  }
0x416: {  	[tilespmem:v9+s12+$0x0] =	vst.idx.add.s32.msk vm2, v12;
	_, v7, vm1 =	vpop (xrf1);
	(xrf1) =	vunique.msk.u32 $0xffff, v1  }
0x417: {  	v9 =	vld [tilespmem:s23+$0x4030]  }
0x418: {  	s22 =	simm.s32 $0x480;
	(xrf1) =	vunique.msk.u32 $0xffff, v4  }
0x419: {  	v12 =	vld [tilespmem:s22+$0x4000]  }
0x41a: {  	_, v13, vm2 =	vpop (xrf1);
	[tilespmem:v2+s12+$0x0] =	vst.idx.add.s32.msk vm0, v6  }
0x41b: {  	v2 =	vld [tilespmem:s29+$0x4050]  }
0x41c: {  	(xrf1) =	vunique.msk.u32 $0xffff, v9;
	_, v6, vm0 =	vpop (xrf1);
	[tilespmem:v3+s12+$0x0] =	vst.idx.add.s32.msk vm1, v7  }
0x41d: {  	v7 =	vld [tilespmem:s18+$0x4020]  }
0x41e: {  	(xrf1) =	vunique.msk.u32 $0xffff, v12;
	_, v3, vm1 =	vpop (xrf1);
	_ =	sdelay $0x1  }
0x41f: {  	[tilespmem:v5+s12+$0x0] =	vst.idx.add.s32.msk vm2, v13;
	(xrf1) =	vunique.msk.u32 $0xffff, v2;
	_, v14, vm3 =	vpop (xrf1)  }
0x420: {  	v5 =	vld [tilespmem:s24+$0x4040]  }
0x421: {  	[tilespmem:v11+s12+$0x0] =	vst.idx.add.s32.msk vm0, v6;
	(xrf1) =	vunique.msk.u32 $0xffff, v7  }
0x422: {  	v11 =	vld [tilespmem:s19+$0x4010]  }
0x423: {  	[tilespmem:v8+s12+$0x0] =	vst.idx.add.s32.msk vm1, v3;
	_, v3, vm0 =	vpop (xrf1)  }
0x424: {  	v13 =	vld [tilespmem:s31+$0x4060]  }
0x425: {  	(xrf1) =	vunique.msk.u32 $0xffff, v5;
	[tilespmem:v10+s12+$0x0] =	vst.idx.add.s32.msk vm3, v14;
	_, v6, vm1 =	vpop (xrf1)  }
0x426: {  	v10 =	vld [tilespmem:s20+$0x4030]  }
0x427: {  	s25 =	simm.s32 $0x500;
	(xrf1) =	vunique.msk.u32 $0xffff, v11  }
0x428: {  	v14 =	vld [tilespmem:s25+$0x4000]  }
0x429: {  	_, v8, vm2 =	vpop (xrf1);
	(xrf1) =	vunique.msk.u32 $0xffff, v13;
	[tilespmem:v1+s12+$0x0] =	vst.idx.add.s32.msk vm0, v3  }
0x42a: {  	v15 =	vld [tilespmem:s28+$0x4050]  }
0x42b: {  	_, v1, vm0 =	vpop (xrf1);
	(xrf1) =	vunique.msk.u32 $0xffff, v10;
	[tilespmem:v4+s12+$0x0] =	vst.idx.add.s32.msk vm1, v6  }
0x42c: {  	v16 =	vld [tilespmem:s21+$0x4020]  }
0x42d: {  	(xrf1) =	vunique.msk.u32 $0xffff, v14;
	_, v4, vm1 =	vpop (xrf1);
	_ =	sdelay $0x1  }
0x42e: {  	[tilespmem:v9+s12+$0x0] =	vst.idx.add.s32.msk vm2, v8;
	_, v8, vm2 =	vpop (xrf1);
	(xrf1) =	vunique.msk.u32 $0xffff, v15  }
0x42f: {  	v6 =	vld [tilespmem:s23+$0x4040]  }
0x430: {  	[tilespmem:v12+s12+$0x0] =	vst.idx.add.s32.msk vm0, v1;
	(xrf1) =	vunique.msk.u32 $0xffff, v16  }
0x431: {  	v3 =	vld [tilespmem:s22+$0x4010]  }
0x432: {  	_, v1, vm0 =	vpop (xrf1);
	[tilespmem:v2+s12+$0x0] =	vst.idx.add.s32.msk vm1, v4  }
0x433: {  	v2 =	vld [tilespmem:s29+$0x4060]  }
0x434: {  	_, v9, vm1 =	vpop (xrf1);
	[tilespmem:v7+s12+$0x0] =	vst.idx.add.s32.msk vm2, v8;
	(xrf1) =	vunique.msk.u32 $0xffff, v6  }
0x435: {  	v4 =	vld [tilespmem:s18+$0x4030]  }
0x436: {  	s26 =	simm.s32 $0x580;
	_, v12, vm2 =	vpop (xrf1);
	(xrf1) =	vunique.msk.u32 $0xffff, v3  }
0x437: {  	v8 =	vld [tilespmem:s26+$0x4000]  }
0x438: {  	[tilespmem:v5+s12+$0x0] =	vst.idx.add.s32.msk vm0, v1;
	_, v17, vm3 =	vpop (xrf1);
	(xrf1) =	vunique.msk.u32 $0xffff, v2  }
0x439: {  	v7 =	vld [tilespmem:s24+$0x4050]  }
0x43a: {  	[tilespmem:v11+s12+$0x0] =	vst.idx.add.s32.msk vm1, v9;
	_, v63, vm0 =	vpop (xrf1);
	(xrf1) =	vunique.msk.u32 $0xffff, v4  }
0x43b: {  	v5 =	vld [tilespmem:s19+$0x4020]  }
0x43c: {  	(xrf1) =	vunique.msk.u32 $0xffff, v8;
	[tilespmem:v13+s12+$0x0] =	vst.idx.add.s32.msk vm2, v12;
	_, v11, vm1 =	vpop (xrf1)  }
0x43d: {  	v1 =	vld [tilespmem:s31+$0x4070]  }
0x43e: {  	(xrf1) =	vunique.msk.u32 $0xffff, v7;
	[tilespmem:v10+s12+$0x0] =	vst.idx.add.s32.msk vm3, v17;
	_, v17, vm2 =	vpop (xrf1)  }
0x43f: {  	v9 =	vld [tilespmem:s20+$0x4040]  }
0x440: {  	(xrf1) =	vunique.msk.u32 $0xffff, v5;
	[tilespmem:v14+s12+$0x0] =	vst.idx.add.s32.msk vm0, v63  }
0x441: {  	v10 =	vld [tilespmem:s25+$0x4010]  }
0x442: {  	[tilespmem:v15+s12+$0x0] =	vst.idx.add.s32.msk vm1, v11;
	_, v14, vm1 =	vpop (xrf1);
	(xrf1) =	vunique.msk.u32 $0xffff, v1  }
0x443: {  	v12 =	vld [tilespmem:s28+$0x4060]  }
0x444: {  	[tilespmem:v16+s12+$0x0] =	vst.idx.add.s32.msk vm2, v17;
	(xrf1) =	vunique.msk.u32 $0xffff, v9;
	_, v13, vm0 =	vpop (xrf1)  }
0x445: {  	v11 =	vld [tilespmem:s21+$0x4030]  }
0x446: {  	s2 =	simm.s32 $0x1A00;
	s0 =	simm.s32 $0x600;
	(xrf1) =	vunique.msk.u32 $0xffff, v10;
	_, v15, vm2 =	vpop (xrf1)  }
.LBB2_12:
0x447: {  	p0 =	sne.s32 s2, $0xFE00;
	v16 =	vld [tilespmem:s0+$0x4000]  }
0x448: {  	_, v17, vm3 =	vpop (xrf1);
	[tilespmem:v6+s12+$0x0] =	vst.idx.add.s32.msk vm1, v14;
	(xrf1) =	vunique.msk.u32 $0xffff, v12;
	v6 =	vmov v9  }
0x449: {  	v18 =	vld [tilespmem:s23+$0x4050]  }
0x44a: {  	_, v14, vm1 =	vpop (xrf1);
	[tilespmem:v3+s12+$0x0] =	vst.idx.add.s32.msk vm0, v13;
	(xrf1) =	vunique.msk.u32 $0xffff, v11;
	v3 =	vmov v10  }
0x44b: {  	v19 =	vld [tilespmem:s22+$0x4020]  }
0x44c: {  	(xrf1) =	vunique.msk.u32 $0xffff, v16;
	_, v13, vm0 =	vpop (xrf1);
	[tilespmem:v2+s12+$0x0] =	vst.idx.add.s32.msk vm2, v15;
	v2 =	vmov v12  }
0x44d: {  	v20 =	vld [tilespmem:s29+$0x4070];
	s29 =	smov.u32 s28;
	s28 =	smov.u32 s24;
	s24 =	smov.u32 s23  }
0x44e: {  	s23 =	smov.u32 s20;
	s20 =	smov.u32 s18;
	s18 =	smov.u32 s21;
	_, v15, vm2 =	vpop (xrf1);
	[tilespmem:v4+s12+$0x0] =	vst.idx.add.s32.msk vm3, v17;
	(xrf1) =	vunique.msk.u32 $0xffff, v18;
	v4 =	vmov v11  }
0x44f: {  	s21 =	smov.u32 s19;
	s19 =	smov.u32 s22;
	s22 =	smov.u32 s25;
	v9 =	vld [tilespmem:s20+$0x4040]  }
0x450: {  	s25 =	smov.u32 s26;
	s26 =	smov.u32 s0;
	[tilespmem:v8+s12+$0x0] =	vst.idx.add.s32.msk vm1, v14;
	(xrf1) =	vunique.msk.u32 $0xffff, v19;
	_, v17, vm3 =	vpop (xrf1);
	v8 =	vmov v16  }
0x451: {  	v10 =	vld [tilespmem:s25+$0x4010]  }
.Ltmp5:
0x452: {  	_, v14, vm1 =	vpop (xrf1);
	[tilespmem:v7+s12+$0x0] =	vst.idx.add.s32.msk vm0, v13;
	(xrf1) =	vunique.msk.u32 $0xffff, v20;
	v7 =	vmov v18;
	(pc) =	sbr.rel @p0 .LBB2_12-.Ltmp5, $4  }
0x453: {  	v12 =	vld [tilespmem:s28+$0x4060]  }
0x454: {  	_, v13, vm0 =	vpop (xrf1);
	[tilespmem:v5+s12+$0x0] =	vst.idx.add.s32.msk vm2, v15;
	(xrf1) =	vunique.msk.u32 $0xffff, v9;
	v5 =	vmov v19  }
0x455: {  	v11 =	vld [tilespmem:s21+$0x4030]  }
0x456: {  	s0 =	sshra.s32 s2, $0x2;
	s2 =	sadd.s32 $0x200, s2;
	(xrf1) =	vunique.msk.u32 $0xffff, v10;
	_, v15, vm2 =	vpop (xrf1);
	[tilespmem:v1+s12+$0x0] =	vst.idx.add.s32.msk vm3, v17;
	v1 =	vmov v20  }
0x457: {  	_ =	sdelay $0x1  }
0x458: {  	v16 =	vld [tilespmem:s0+$0x4000]  }
0x459: {  	(xrf1) =	vunique.msk.u32 $0xffff, v12;
	_ =	sdelay $0x1  }
0x45a: {  	[tilespmem:v6+s12+$0x0] =	vst.idx.add.s32.msk vm1, v14;
	_, v17, vm3 =	vpop (xrf1);
	(xrf1) =	vunique.msk.u32 $0xffff, v11  }
0x45b: {  	[tilespmem:v3+s12+$0x0] =	vst.idx.add.s32.msk vm0, v13  }
0x45c: {  	[tilespmem:v2+s12+$0x0] =	vst.idx.add.s32.msk vm2, v15;
	_, v14, vm1 =	vpop (xrf1);
	(xrf1) =	vunique.msk.u32 $0xffff, v16  }
0x45d: {  	v6 =	vld [tilespmem:s23+$0x4050]  }
0x45e: {  	v13 =	vld [tilespmem:s22+$0x4020];
	_, v18, vm4 =	vpop (xrf1)  }
0x45f: {  	v2 =	vld [tilespmem:s29+$0x4070]  }
0x460: {  	_, v15, vm2 =	vpop (xrf1);
	[tilespmem:v4+s12+$0x0] =	vst.idx.add.s32.msk vm3, v17  }
0x461: {  	v17 =	vld [tilespmem:s18+$0x4040];
	_, v3, vm0 =	vpop (xrf1)  }
0x462: {  	[tilespmem:v8+s12+$0x0] =	vst.idx.add.s32.msk vm1, v14;
	_, v34, vm14 =	vpop (xrf1)  }
0x463: {  	v8 =	vld [tilespmem:s26+$0x4010]  }
0x464: {  	(xrf1) =	vunique.msk.u32 $0xffff, v6;
	[tilespmem:v7+s12+$0x0] =	vst.idx.add.s32.msk vm4, v18;
	_, v35, vm15 =	vpop (xrf1)  }
0x465: {  	v36 =	vld [tilespmem:s24+$0x4060]  }
0x466: {  	(xrf1) =	vunique.msk.u32 $0xffff, v13;
	[tilespmem:v5+s12+$0x0] =	vst.idx.add.s32.msk vm2, v15;
	_, v5, vm2 =	vpop (xrf1)  }
0x467: {  	(xrf1) =	vunique.msk.u32 $0xffff, v2;
	v15 =	vld [tilespmem:s19+$0x4030]  }
0x468: {  	(xrf1) =	vunique.msk.u32 $0xffff, v17;
	_, v18, vm4 =	vpop (xrf1);
	[tilespmem:v9+s12+$0x0] =	vst.idx.add.s32.msk vm14, v34  }
0x469: {  	v9 =	vld [tilespmem:s20+$0x4050]  }
0x46a: {  	(xrf1) =	vunique.msk.u32 $0xffff, v8;
	_, v19, vm7 =	vpop (xrf1);
	[tilespmem:v10+s12+$0x0] =	vst.idx.add.s32.msk vm15, v35  }
0x46b: {  	v10 =	vld [tilespmem:s25+$0x4020]  }
0x46c: {  	(xrf1) =	vunique.msk.u32 $0xffff, v36;
	[tilespmem:v12+s12+$0x0] =	vst.idx.add.s32.msk vm2, v5  }
0x46d: {  	v37 =	vld [tilespmem:s28+$0x4070]  }
0x46e: {  	(xrf1) =	vunique.msk.u32 $0xffff, v15;
	[tilespmem:v11+s12+$0x0] =	vst.idx.add.s32.msk vm4, v18  }
0x46f: {  	v11 =	vld [tilespmem:s21+$0x4040]  }
0x470: {  	(xrf1) =	vunique.msk.u32 $0xffff, v9;
	[tilespmem:v16+s12+$0x0] =	vst.idx.add.s32.msk vm7, v19  }
0x471: {  	v38 =	vld [tilespmem:s0+$0x4010]  }
0x472: {  	_, v39, vm8 =	vpop (xrf1);
	(xrf1) =	vunique.msk.u32 $0xffff, v10  }
0x473: {  	(xrf1) =	vunique.msk.u32 $0xffff, v37  }
0x474: {  	_, v40, vm9 =	vpop (xrf1);
	(xrf1) =	vunique.msk.u32 $0xffff, v11  }
0x475: {  	_, v41, vm1 =	vpop (xrf1)  }
0x476: {  	_, v18, vm4 =	vpop (xrf1);
	(xrf1) =	vunique.msk.u32 $0xffff, v38;
	_ =	sdelay $0x1  }
0x477: {  	[tilespmem:v6+s12+$0x0] =	vst.idx.add.s32.msk vm8, v39;
	_, v6, vm2 =	vpop (xrf1)  }
0x478: {  	v42 =	vld [tilespmem:s23+$0x4060]  }
0x479: {  	[tilespmem:v13+s12+$0x0] =	vst.idx.add.s32.msk vm9, v40;
	_, v43, vm10 =	vpop (xrf1)  }
0x47a: {  	v13 =	vld [tilespmem:s22+$0x4030]  }
0x47b: {  	_, v44, vm5 =	vpop (xrf1);
	[tilespmem:v17+s12+$0x0] =	vst.idx.add.s32.msk vm4, v18  }
0x47c: {  	v17 =	vld [tilespmem:s18+$0x4050]  }
0x47d: {  	[tilespmem:v8+s12+$0x0] =	vst.idx.add.s32.msk vm2, v6;
	_, v45, vm11 =	vpop (xrf1)  }
0x47e: {  	v46 =	vld [tilespmem:s26+$0x4020]  }
0x47f: {  	(xrf1) =	vunique.msk.u32 $0xffff, v42;
	[tilespmem:v36+s12+$0x0] =	vst.idx.add.s32.msk vm10, v43;
	_, v14, vm3 =	vpop (xrf1)  }
0x480: {  	v47 =	vld [tilespmem:s24+$0x4070];
	_, v48, vm2 =	vpop (xrf1)  }
0x481: {  	[tilespmem:v15+s12+$0x0] =	vst.idx.add.s32.msk vm5, v44;
	(xrf1) =	vunique.msk.u32 $0xffff, v13;
	_, v15, vm5 =	vpop (xrf1)  }
0x482: {  	v16 =	vld [tilespmem:s19+$0x4040]  }
0x483: {  	(xrf1) =	vunique.msk.u32 $0xffff, v17;
	[tilespmem:v9+s12+$0x0] =	vst.idx.add.s32.msk vm11, v45;
	_, v8, vm4 =	vpop (xrf1)  }
0x484: {  	v9 =	vld [tilespmem:s20+$0x4060]  }
0x485: {  	(xrf1) =	vunique.msk.u32 $0xffff, v46;
	[tilespmem:v10+s12+$0x0] =	vst.idx.add.s32.msk vm3, v14  }
0x486: {  	(xrf1) =	vunique.msk.u32 $0xffff, v47;
	v10 =	vld [tilespmem:s25+$0x4030]  }
0x487: {  	(xrf1) =	vunique.msk.u32 $0xffff, v16;
	[tilespmem:v11+s12+$0x0] =	vst.idx.add.s32.msk vm5, v15  }
0x488: {  	v11 =	vld [tilespmem:s21+$0x4050]  }
0x489: {  	(xrf1) =	vunique.msk.u32 $0xffff, v9;
	[tilespmem:v38+s12+$0x0] =	vst.idx.add.s32.msk vm4, v8  }
0x48a: {  	v8 =	vld [tilespmem:s0+$0x4020]  }
0x48b: {  	(xrf1) =	vunique.msk.u32 $0xffff, v10;
	_ =	sdelay $0x1  }
0x48c: {  	_, v49, vm12 =	vpop (xrf1);
	(xrf1) =	vunique.msk.u32 $0xffff, v11;
	_ =	sdelay $0x1  }
0x48d: {  	_, v50, vm13 =	vpop (xrf1);
	(xrf1) =	vunique.msk.u32 $0xffff, v8;
	_ =	sdelay $0x1  }
0x48e: {  	_, v15, vm5 =	vpop (xrf1);
	_ =	sdelay $0x1  }
0x48f: {  	[tilespmem:v42+s12+$0x0] =	vst.idx.add.s32.msk vm12, v49;
	_, v51, vm6 =	vpop (xrf1)  }
0x490: {  	v19 =	vld [tilespmem:s23+$0x4070];
	_, v20, vm3 =	vpop (xrf1)  }
0x491: {  	[tilespmem:v13+s12+$0x0] =	vst.idx.add.s32.msk vm13, v50;
	_, v13, vm4 =	vpop (xrf1)  }
0x492: {  	v14 =	vld [tilespmem:s22+$0x4040]  }
0x493: {  	[tilespmem:v17+s12+$0x0] =	vst.idx.add.s32.msk vm5, v15;
	_, v15, vm5 =	vpop (xrf1)  }
0x494: {  	v17 =	vld [tilespmem:s18+$0x4060]  }
0x495: {  	[tilespmem:v46+s12+$0x0] =	vst.idx.add.s32.msk vm6, v51;
	_, v12, vm6 =	vpop (xrf1)  }
0x496: {  	v18 =	vld [tilespmem:s26+$0x4030]  }
0x497: {  	[tilespmem:v16+s12+$0x0] =	vst.idx.add.s32.msk vm4, v13;
	_, v13, vm4 =	vpop (xrf1)  }
0x498: {  	v16 =	vld [tilespmem:s19+$0x4050];
	(xrf1) =	vunique.msk.u32 $0xffff, v19  }
0x499: {  	[tilespmem:v9+s12+$0x0] =	vst.idx.add.s32.msk vm5, v15;
	(xrf1) =	vunique.msk.u32 $0xffff, v14;
	_, v9, vm5 =	vpop (xrf1)  }
0x49a: {  	v15 =	vld [tilespmem:s20+$0x4070]  }
0x49b: {  	(xrf1) =	vunique.msk.u32 $0xffff, v17;
	[tilespmem:v10+s12+$0x0] =	vst.idx.add.s32.msk vm6, v12  }
0x49c: {  	v10 =	vld [tilespmem:s25+$0x4040]  }
0x49d: {  	(xrf1) =	vunique.msk.u32 $0xffff, v18;
	[tilespmem:v11+s12+$0x0] =	vst.idx.add.s32.msk vm4, v13  }
0x49e: {  	v11 =	vld [tilespmem:s21+$0x4060]  }
0x49f: {  	(xrf1) =	vunique.msk.u32 $0xffff, v16;
	[tilespmem:v8+s12+$0x0] =	vst.idx.add.s32.msk vm5, v9  }
0x4a0: {  	(xrf1) =	vunique.msk.u32 $0xffff, v15;
	v8 =	vld [tilespmem:s0+$0x4030]  }
0x4a1: {  	(xrf1) =	vunique.msk.u32 $0xffff, v10;
	_ =	sdelay $0x1  }
0x4a2: {  	(xrf1) =	vunique.msk.u32 $0xffff, v11;
	_ =	sdelay $0x1  }
0x4a3: {  	(xrf1) =	vunique.msk.u32 $0xffff, v8  }
0x4a4: {  	_, v52, vm4 =	vpop (xrf1)  }
0x4a5: {  	_, v53, vm14 =	vpop (xrf1);
	_ =	sdelay $0x1  }
0x4a6: {  	_, v54, vm15 =	vpop (xrf1);
	_ =	sdelay $0x1  }
0x4a7: {  	_, v21, vm7 =	vpop (xrf1);
	_ =	sdelay $0x1  }
0x4a8: {  	_, v55, vm8 =	vpop (xrf1);
	[tilespmem:v14+s12+$0x0] =	vst.idx.add.s32.msk vm14, v53  }
0x4a9: {  	_, v22, vm5 =	vpop (xrf1);
	v14 =	vld [tilespmem:s22+$0x4050]  }
0x4aa: {  	[tilespmem:v17+s12+$0x0] =	vst.idx.add.s32.msk vm15, v54;
	_, v13, vm6 =	vpop (xrf1)  }
0x4ab: {  	v17 =	vld [tilespmem:s18+$0x4070]  }
0x4ac: {  	[tilespmem:v18+s12+$0x0] =	vst.idx.add.s32.msk vm7, v21;
	_, v18, vm7 =	vpop (xrf1)  }
0x4ad: {  	v21 =	vld [tilespmem:s26+$0x4040]  }
0x4ae: {  	[tilespmem:v16+s12+$0x0] =	vst.idx.add.s32.msk vm8, v55;
	_, v12, vm8 =	vpop (xrf1)  }
0x4af: {  	v16 =	vld [tilespmem:s19+$0x4060]  }
0x4b0: {  	[tilespmem:v10+s12+$0x0] =	vst.idx.add.s32.msk vm6, v13  }
0x4b1: {  	v10 =	vld [tilespmem:s25+$0x4050]  }
0x4b2: {  	(xrf1) =	vunique.msk.u32 $0xffff, v14;
	[tilespmem:v11+s12+$0x0] =	vst.idx.add.s32.msk vm7, v18  }
0x4b3: {  	(xrf1) =	vunique.msk.u32 $0xffff, v17;
	v11 =	vld [tilespmem:s21+$0x4070]  }
0x4b4: {  	(xrf1) =	vunique.msk.u32 $0xffff, v21;
	[tilespmem:v8+s12+$0x0] =	vst.idx.add.s32.msk vm8, v12  }
0x4b5: {  	v8 =	vld [tilespmem:s0+$0x4040]  }
0x4b6: {  	(xrf1) =	vunique.msk.u32 $0xffff, v16;
	_ =	sdelay $0x1  }
0x4b7: {  	(xrf1) =	vunique.msk.u32 $0xffff, v10  }
0x4b8: {  	(xrf1) =	vunique.msk.u32 $0xffff, v11  }
0x4b9: {  	(xrf1) =	vunique.msk.u32 $0xffff, v8;
	_ =	sdelay $0x5  }
0x4ba: {  	_, v56, vm12 =	vpop (xrf1)  }
0x4bb: {  	_, v13, vm6 =	vpop (xrf1)  }
0x4bc: {  	_, v57, vm13 =	vpop (xrf1);
	_ =	sdelay $0x1  }
0x4bd: {  	_, v23, vm9 =	vpop (xrf1);
	_ =	sdelay $0x1  }
0x4be: {  	[tilespmem:v14+s12+$0x0] =	vst.idx.add.s32.msk vm12, v56;
	_, v58, vm10 =	vpop (xrf1)  }
0x4bf: {  	v14 =	vld [tilespmem:s22+$0x4060];
	_, v24, vm7 =	vpop (xrf1)  }
0x4c0: {  	[tilespmem:v21+s12+$0x0] =	vst.idx.add.s32.msk vm13, v57;
	_, v18, vm8 =	vpop (xrf1)  }
0x4c1: {  	v21 =	vld [tilespmem:s26+$0x4050]  }
0x4c2: {  	[tilespmem:v16+s12+$0x0] =	vst.idx.add.s32.msk vm9, v23  }
0x4c3: {  	v16 =	vld [tilespmem:s19+$0x4070]  }
0x4c4: {  	[tilespmem:v10+s12+$0x0] =	vst.idx.add.s32.msk vm10, v58  }
0x4c5: {  	v10 =	vld [tilespmem:s25+$0x4060]  }
0x4c6: {  	(xrf1) =	vunique.msk.u32 $0xffff, v14;
	[tilespmem:v8+s12+$0x0] =	vst.idx.add.s32.msk vm8, v18  }
0x4c7: {  	v8 =	vld [tilespmem:s0+$0x4050]  }
0x4c8: {  	(xrf1) =	vunique.msk.u32 $0xffff, v21  }
0x4c9: {  	(xrf1) =	vunique.msk.u32 $0xffff, v16  }
0x4ca: {  	(xrf1) =	vunique.msk.u32 $0xffff, v10;
	_ =	sdelay $0x1  }
0x4cb: {  	(xrf1) =	vunique.msk.u32 $0xffff, v8;
	_ =	sdelay $0x7  }
0x4cc: {  	_, v59, vm14 =	vpop (xrf1);
	_ =	sdelay $0x1  }
0x4cd: {  	_, v60, vm15 =	vpop (xrf1)  }
0x4ce: {  	_, v61, vm8 =	vpop (xrf1)  }
0x4cf: {  	_, v25, vm11 =	vpop (xrf1);
	_ =	sdelay $0x1  }
0x4d0: {  	[tilespmem:v14+s12+$0x0] =	vst.idx.add.s32.msk vm14, v59;
	_, v12, vm9 =	vpop (xrf1)  }
0x4d1: {  	v14 =	vld [tilespmem:s22+$0x4070]  }
0x4d2: {  	[tilespmem:v21+s12+$0x0] =	vst.idx.add.s32.msk vm15, v60  }
0x4d3: {  	v18 =	vld [tilespmem:s26+$0x4060]  }
0x4d4: {  	[tilespmem:v10+s12+$0x0] =	vst.idx.add.s32.msk vm11, v25  }
0x4d5: {  	v10 =	vld [tilespmem:s25+$0x4070]  }
0x4d6: {  	[tilespmem:v8+s12+$0x0] =	vst.idx.add.s32.msk vm9, v12  }
0x4d7: {  	v8 =	vld [tilespmem:s0+$0x4060];
	_ =	sdelay $0x1  }
0x4d8: {  	(xrf1) =	vunique.msk.u32 $0xffff, v14  }
0x4d9: {  	(xrf1) =	vunique.msk.u32 $0xffff, v18  }
0x4da: {  	(xrf1) =	vunique.msk.u32 $0xffff, v10  }
0x4db: {  	(xrf1) =	vunique.msk.u32 $0xffff, v8;
	_ =	sdelay $0xa  }
0x4dc: {  	_, v12, vm9 =	vpop (xrf1)  }
0x4dd: {  	_, v21, vm10 =	vpop (xrf1)  }
0x4de: {  	_, v25, vm11 =	vpop (xrf1)  }
0x4df: {  	_, v26, vm12 =	vpop (xrf1);
	_ =	sdelay $0x3  }
0x4e0: {  	[tilespmem:v18+s12+$0x0] =	vst.idx.add.s32.msk vm10, v21  }
0x4e1: {  	v62 =	vld [tilespmem:s26+$0x4070]  }
0x4e2: {  	[tilespmem:v8+s12+$0x0] =	vst.idx.add.s32.msk vm12, v26  }
0x4e3: {  	v63 =	vld [tilespmem:s0+$0x4070];
	_ =	sdelay $0x3  }
0x4e4: {  	(xrf1) =	vunique.msk.u32 $0xffff, v62  }
0x4e5: {  	(xrf1) =	vunique.msk.u32 $0xffff, v63;
	_ =	sdelay $0x7  }
0x4e6: {  	[tilespmem:v1+s12+$0x0] =	vst.idx.add.s32.msk vm0, v3  }
0x4e7: {  	[tilespmem:v2+s12+$0x0] =	vst.idx.add.s32.msk vm1, v41  }
0x4e8: {  	[tilespmem:v37+s12+$0x0] =	vst.idx.add.s32.msk vm2, v48  }
0x4e9: {  	[tilespmem:v47+s12+$0x0] =	vst.idx.add.s32.msk vm3, v20  }
0x4ea: {  	[tilespmem:v19+s12+$0x0] =	vst.idx.add.s32.msk vm4, v52  }
0x4eb: {  	[tilespmem:v15+s12+$0x0] =	vst.idx.add.s32.msk vm5, v22;
	_, v1, vm0 =	vpop (xrf1)  }
0x4ec: {  	[tilespmem:v17+s12+$0x0] =	vst.idx.add.s32.msk vm6, v13;
	_, v2, vm1 =	vpop (xrf1)  }
0x4ed: {  	[tilespmem:v11+s12+$0x0] =	vst.idx.add.s32.msk vm7, v24  }
0x4ee: {  	[tilespmem:v16+s12+$0x0] =	vst.idx.add.s32.msk vm8, v61  }
0x4ef: {  	[tilespmem:v14+s12+$0x0] =	vst.idx.add.s32.msk vm9, v12  }
0x4f0: {  	s17 =	sadd.s32 $0x1, s17;
	[tilespmem:v10+s12+$0x0] =	vst.idx.add.s32.msk vm11, v25  }
0x4f1: {  	p0 =	sne.s32 s17, s9;
	[tilespmem:v62+s12+$0x0] =	vst.idx.add.s32.msk vm0, v1  }
.Ltmp6:
0x4f2: {  	[tilespmem:v63+s12+$0x0] =	vst.idx.add.s32.msk vm1, v2;
	(pc) =	sbr.rel @p0 .LBB2_1-.Ltmp6, $4  }
0x4f3: {  	[hbm4b:s8+s14] =	stream.strided.scatter [tilespmem:s12], [sflag:$0x3], $0x10000, s15, s14, $0x38;
	[tilespmem:$0x18000] =	vst v63  }
0x4f4: {  	_ =	swait.ge [sflag:s16], $0x10000  }
0x4f5: {  	[sflag:s16] =	ssyncset.done $0x0  }
0x4f6: {  	[sflag:s16] =	ssyncadd.s32 $0xFFFF0000  }
0x4f7: {  	_ =	sfence.sel $0x180000  }
0x4f8: {  	[bflag:$0x0] =	sbarrier.arrive $0xFFFF  }
0x4f9: {  	_ =	strace $0x90000047  }
0x4fa: {  	s0 =	stileid.u32;
	[bflag:$0x2] =	sbarrier.arrive $0xFFFF  }
0x4fb: {  	p0 =	sne.s32 s0, $0x0;
	s0 =	rddreg [dreg:$0x2]  }
0x4fc: {  	s0 =	sadd.s32 @!p0 $0x100000, s0  }
0x4fd: {  	[sflag:s0] =	ssyncadd.tile.s32 @!p0 $0x1;
	_ =	shalt  }
.Lfunc_end2:
_tile_overlayer_lowered:
.L_overlay_start_2:
0x4fe: {  	(tag) =	ssettag $0x2  }
0x4ff: {  	s0 =	rddreg [dreg:$0x0];
	s2 =	stileid.u32  }
0x500: {  	s1 =	rddreg [dreg:$0x1];
	p0 =	sne.s32 s2, $0x0  }
0x501: {  	s3 =	rddreg [dreg:$0x2];
	[bflag:$0x3] =	sbarrier.arrive $0xFFFF;
	s2 =	simm.s32 @!p0 $0x1C03  }
0x502: {  	[timem:s3], [sflag:s2] =	dma.local @!p0 [hbm:s0], s1  }
0x503: {  	s0 =	simm.s32 @!p0 $0x3  }
0x504: {  	_ =	swait.ge @!p0 [sflag:s0], s1  }
0x505: {  	s1 =	ssub.s32 @!p0 $0x0, s1;
	[sflag:s0] =	ssyncset.done @!p0 $0x0  }
0x506: {  	[sflag:s0] =	ssyncadd.s32 @!p0 s1  }
0x507: {  	[bflag:$0x3] =	sbarrier.arrive $0xFFFF  }
0x508: {  	_ =	shalt  }

</sc_bundles>
